<compile_context>
chip_gen: v7x
topology: tpu7x:2x2x1
jax: 0.10.2.dev20260603
libtpu: 0.0.44.dev20260713+nightly
codegen_flags: <defaults>
</compile_context>

<pallas_src>
import jax
import jax.numpy as jnp
from jax import lax
from jax.experimental import pallas as pl
from jax.experimental.pallas import tpu as pltpu
from jax.experimental.pallas import tpu_sc as plsc

E = 8
D = 1024
F = 512
T = 2048
TB = 256
TT = 256
MAXT = 15
NPAD = MAXT * TT
NW = 32
TPW = T // NW


def _router_body(x_ref, wr_ref, val_ref, tile_ref, nt_ref, dest_ref,
                 counts_sc, e_sc, rank_sc):
    b = pl.program_id(0)

    @pl.when(b == 0)
    def _():
        counts_sc[...] = jnp.zeros((1, E), jnp.float32)

    xb = x_ref[...]
    logits = jnp.dot(xb, wr_ref[...], preferred_element_type=jnp.float32)
    m = jnp.max(logits, axis=1, keepdims=True)
    p = jnp.exp(logits - m)
    probs = p / jnp.sum(p, axis=1, keepdims=True)
    pmax = jnp.max(probs, axis=1, keepdims=True)
    iota_e = lax.broadcasted_iota(jnp.int32, (TB, E), 1)
    idx = jnp.min(jnp.where(probs >= pmax, iota_e, E), axis=1, keepdims=True)
    onehot = (iota_e == idx).astype(jnp.float32)

    r_i = lax.broadcasted_iota(jnp.int32, (TB, TB), 0)
    c_i = lax.broadcasted_iota(jnp.int32, (TB, TB), 1)
    ltri = (c_i < r_i).astype(jnp.float32)
    rank_blk = jnp.dot(ltri, onehot, preferred_element_type=jnp.float32)
    running = counts_sc[...]
    rank_glb = jnp.sum((rank_blk + running) * onehot, axis=1, keepdims=True)
    counts_sc[...] = running + jnp.sum(onehot, axis=0, keepdims=True)

    val_ref[...] = pmax
    e_sc[pl.ds(b * TB, TB), :] = idx
    rank_sc[pl.ds(b * TB, TB), :] = rank_glb.astype(jnp.int32)

    @pl.when(b == T // TB - 1)
    def _():
        counts_i = counts_sc[...].astype(jnp.int32)
        pc = ((counts_i + (TT - 1)) // TT) * TT
        a_i = lax.broadcasted_iota(jnp.int32, (E, E), 0)
        b_i = lax.broadcasted_iota(jnp.int32, (E, E), 1)
        excl = (a_i < b_i).astype(jnp.float32)
        starts = jnp.dot(pc.astype(jnp.float32), excl,
                         preferred_element_type=jnp.float32).astype(jnp.int32)
        ends = starts + pc
        ts = lax.broadcasted_iota(jnp.int32, (1, 16), 1) * TT
        te = jnp.zeros((1, 16), jnp.int32)
        for e in range(E):
            te = te + (ts >= ends[:, e:e + 1]).astype(jnp.int32)
        tile_ref[...] = jnp.minimum(te, E - 1)
        nt_ref[...] = jnp.sum(pc, axis=1, keepdims=True) // TT
        iota_all = lax.broadcasted_iota(jnp.int32, (T, E), 1)
        oh_all = (iota_all == e_sc[...]).astype(jnp.int32)
        dest_ref[...] = rank_sc[...] + jnp.sum(
            oh_all * starts, axis=1, keepdims=True)


def _run_router(x2, W_router):
    return pl.pallas_call(
        _router_body,
        grid=(T // TB,),
        in_specs=[
            pl.BlockSpec((TB, D), lambda b: (b, 0)),
            pl.BlockSpec((D, E), lambda b: (0, 0)),
        ],
        out_specs=[
            pl.BlockSpec((TB, 1), lambda b: (b, 0)),
            pl.BlockSpec((1, 16), lambda b: (0, 0)),
            pl.BlockSpec((1, 1), lambda b: (0, 0)),
            pl.BlockSpec((T, 1), lambda b: (0, 0)),
        ],
        out_shape=[
            jax.ShapeDtypeStruct((T, 1), jnp.float32),
            jax.ShapeDtypeStruct((1, 16), jnp.int32),
            jax.ShapeDtypeStruct((1, 1), jnp.int32),
            jax.ShapeDtypeStruct((T, 1), jnp.int32),
        ],
        scratch_shapes=[
            pltpu.VMEM((1, E), jnp.float32),
            pltpu.VMEM((T, 1), jnp.int32),
            pltpu.VMEM((T, 1), jnp.int32),
        ],
        compiler_params=pltpu.CompilerParams(
            dimension_semantics=("arbitrary",)),
    )(x2, W_router)


def _scatter_body(x_hbm, dest_hbm, sorted_hbm, dest_v, rows_v, sem):
    wid = lax.axis_index("s") * 2 + lax.axis_index("c")
    base = wid * TPW
    pltpu.sync_copy(dest_hbm.at[pl.ds(base, TPW)], dest_v)
    pltpu.sync_copy(x_hbm.at[pl.ds(base, TPW)], rows_v)
    pltpu.async_copy(rows_v, sorted_hbm.at[dest_v], sem).wait()


def _sc_scatter(x2, dest1):
    mesh = plsc.VectorSubcoreMesh(core_axis_name="c", subcore_axis_name="s")
    fn = pl.kernel(
        _scatter_body,
        out_type=jax.ShapeDtypeStruct((NPAD, D), jnp.float32),
        mesh=mesh,
        scratch_types=[
            pltpu.VMEM((TPW,), jnp.int32),
            pltpu.VMEM((TPW, D), jnp.float32),
            pltpu.SemaphoreType.DMA,
        ],
    )
    return fn(x2, dest1)


def _expert_body(te_ref, nt_ref, xs_ref, w1_ref, w2_ref, xb_ref, wgu_ref,
                 wd_ref, wsg_ref, o_ref, sh_ref):
    t = pl.program_id(0)

    @pl.when(t < nt_ref[0])
    def _():
        xb = xs_ref[...]
        h = jnp.dot(xb, w1_ref[0], preferred_element_type=jnp.float32)
        h = jax.nn.silu(h)
        o_ref[...] = jnp.dot(h, w2_ref[0], preferred_element_type=jnp.float32)

    @pl.when(t < T // TB)
    def _():
        xb = xb_ref[...]
        gu = jnp.dot(xb, wgu_ref[...], preferred_element_type=jnp.float32)
        g = gu[:, :F]
        u = gu[:, F:]
        sh = jnp.dot(jax.nn.silu(g) * u, wd_ref[...],
                     preferred_element_type=jnp.float32)
        sg = jax.nn.sigmoid(jnp.dot(xb, wsg_ref[...],
                                    preferred_element_type=jnp.float32))
        sh_ref[...] = sg * sh


def _run_experts(tile_e16, ntiles1, sorted_x, W1b, W2b,
                 x2, W_gate_up, W_down, W_shared_gate):
    nb = T // TB
    grid_spec = pltpu.PrefetchScalarGridSpec(
        num_scalar_prefetch=2,
        grid=(MAXT,),
        in_specs=[
            pl.BlockSpec((TT, D),
                         lambda t, te, nt: (jnp.minimum(t, nt[0] - 1), 0)),
            pl.BlockSpec((1, D, F), lambda t, te, nt: (te[t], 0, 0)),
            pl.BlockSpec((1, F, D), lambda t, te, nt: (te[t], 0, 0)),
            pl.BlockSpec((TB, D),
                         lambda t, te, nt: (jnp.minimum(t, nb - 1), 0)),
            pl.BlockSpec((D, 2 * F), lambda t, te, nt: (0, 0)),
            pl.BlockSpec((F, D), lambda t, te, nt: (0, 0)),
            pl.BlockSpec((D, 1), lambda t, te, nt: (0, 0)),
        ],
        out_specs=[
            pl.BlockSpec((TT, D),
                         lambda t, te, nt: (jnp.minimum(t, nt[0] - 1), 0)),
            pl.BlockSpec((TB, D),
                         lambda t, te, nt: (jnp.minimum(t, nb - 1), 0)),
        ],
    )
    return pl.pallas_call(
        _expert_body,
        grid_spec=grid_spec,
        out_shape=[
            jax.ShapeDtypeStruct((NPAD, D), jnp.float32),
            jax.ShapeDtypeStruct((T, D), jnp.float32),
        ],
        compiler_params=pltpu.CompilerParams(
            dimension_semantics=("arbitrary",)),
    )(tile_e16, ntiles1, sorted_x, W1b, W2b,
      x2, W_gate_up, W_down, W_shared_gate)


def _gather_body(routed_hbm, dest_hbm, out_hbm, dest_v, rows_v, sem):
    wid = lax.axis_index("s") * 2 + lax.axis_index("c")
    base = wid * TPW
    pltpu.sync_copy(dest_hbm.at[pl.ds(base, TPW)], dest_v)
    pltpu.async_copy(routed_hbm.at[dest_v], rows_v, sem).wait()
    pltpu.sync_copy(rows_v, out_hbm.at[pl.ds(base, TPW)])


def _sc_gather(routed_sorted, dest):
    mesh = plsc.VectorSubcoreMesh(core_axis_name="c", subcore_axis_name="s")
    fn = pl.kernel(
        _gather_body,
        out_type=jax.ShapeDtypeStruct((T, D), jnp.float32),
        mesh=mesh,
        scratch_types=[
            pltpu.VMEM((TPW,), jnp.int32),
            pltpu.VMEM((TPW, D), jnp.float32),
            pltpu.SemaphoreType.DMA,
        ],
    )
    return fn(routed_sorted, dest)


CB = 512


def _combine_body(r_ref, v_ref, sh_ref, o_ref):
    o_ref[...] = v_ref[...] * r_ref[...] + sh_ref[...]


def _run_combine(routed, val, shared):
    return pl.pallas_call(
        _combine_body,
        grid=(T // CB,),
        in_specs=[
            pl.BlockSpec((CB, D), lambda b: (b, 0)),
            pl.BlockSpec((CB, 1), lambda b: (b, 0)),
            pl.BlockSpec((CB, D), lambda b: (b, 0)),
        ],
        out_specs=pl.BlockSpec((CB, D), lambda b: (b, 0)),
        out_shape=jax.ShapeDtypeStruct((T, D), jnp.float32),
        compiler_params=pltpu.CompilerParams(
            dimension_semantics=("arbitrary",)),
    )(routed, val, shared)


def kernel(x, W_router, W1, W2, W_gate_up, W_down, W_shared_gate):
    Bb, Tt, Dd = x.shape
    x2 = x.reshape(Tt, Dd)
    val2, tile_e, ntl, dest2 = _run_router(x2, W_router)
    dest = dest2.reshape(Tt)
    sorted_x = _sc_scatter(x2, dest)
    routed_sorted, shared = _run_experts(
        tile_e.reshape(16), ntl.reshape(1), sorted_x, W1, W2,
        x2, W_gate_up, W_down, W_shared_gate)
    routed = _sc_gather(routed_sorted, dest)
    out = _run_combine(routed, val2, shared)
    return out.reshape(Bb, Tt, Dd)

# --- scband reference (transcript-rebuilt; emitter-appended) ---
"""Pipeline reference for scband-attention-moe-model-40733469835726 (READ-ONLY COPY).

The authoritative reference and input builder live on the scoring server;
editing this copy changes nothing except your own understanding.
"""

import jax, jax.numpy as jnp
import numpy as np

N_EXPERTS = 8
TOP_K = 1
D_MODEL = 1024
D_FF = 512
B, T = 1, 2048


def setup_inputs(seed: int = 0) -> dict:
    key = jax.random.key(seed)
    ks = jax.random.split(key, 8)
    x = jax.random.normal(ks[0], (B, T, D_MODEL), dtype=jnp.float32)
    W_router = jax.random.normal(ks[1], (D_MODEL, N_EXPERTS), dtype=jnp.float32) * 0.02
    W1 = jax.random.normal(ks[2], (N_EXPERTS, D_MODEL, D_FF), dtype=jnp.float32) * 0.02
    W2 = jax.random.normal(ks[3], (N_EXPERTS, D_FF, D_MODEL), dtype=jnp.float32) * 0.02
    W_gate_up = jax.random.normal(ks[4], (D_MODEL, 2 * D_FF), dtype=jnp.float32) * 0.02
    W_down = jax.random.normal(ks[5], (D_FF, D_MODEL), dtype=jnp.float32) * 0.02
    W_shared_gate = jax.random.normal(ks[6], (D_MODEL, 1), dtype=jnp.float32) * 0.02
    return {
        'x': x,
        'W_router': W_router,
        'W1': W1,
        'W2': W2,
        'W_gate_up': W_gate_up,
        'W_down': W_down,
        'W_shared_gate': W_shared_gate,
    }


def _moe_block(x, W_router, W1, W2, W_gate_up, W_down, W_shared_gate):
    # MegaBlocksMoeBlock.forward: routed = dMoE(x); shared = sigmoid(shared_gate(x)) * SharedExpertMLP(x)
    Bb, Tt, D = x.shape
    xf = x.reshape(-1, D)
    # dMoE router: softmax over expert logits, top-k expert selection with
    # softmax probabilities as combine weights (MegaBlocks default: no renorm).
    logits = xf @ W_router
    probs = jax.nn.softmax(logits, axis=-1)
    top_vals, top_idx = jax.lax.top_k(probs, TOP_K)
    comb = jnp.sum(jax.nn.one_hot(top_idx, N_EXPERTS, dtype=xf.dtype) * top_vals[..., None], axis=1)  # [N, E]
    # Dropless expert MLP (activation_fn=silu, bias=False): y_e = silu(x @ W1_e) @ W2_e
    # Dense-dispatch formulation is mathematically identical to the grouped
    # (dropless) kernel because comb is zero for non-selected experts.
    h = jax.nn.silu(jnp.einsum('nd,edf->nef', xf, W1))
    eo = jnp.einsum('nef,efd->ned', h, W2)
    routed = jnp.einsum('ne,ned->nd', comb, eo)
    # Shared expert (SwiGLU) with scalar sigmoid gate
    gu = xf @ W_gate_up
    g, u = jnp.split(gu, 2, axis=-1)
    shared = (jax.nn.silu(g) * u) @ W_down
    shared = jax.nn.sigmoid(xf @ W_shared_gate) * shared
    return (routed + shared).reshape(Bb, Tt, D)


def reference(x, W_router, W1, W2, W_gate_up, W_down, W_shared_gate):
    return _moe_block(x, W_router, W1, W2, W_gate_up, W_down, W_shared_gate)

if __name__ == "__main__":
    import jax
    _d = setup_inputs()
    print(jax.jit(kernel)(*tuple(_d.values())))

</pallas_src>

<mosaic_0001>
#map = affine_map<(d0, d1) -> (0, 0)>
#map1 = affine_map<(d0, d1) -> (0)>
module attributes {stable_mosaic.version = 14 : i64} {
  func.func @_gather_body(%arg0: i32, %arg1: i32, %arg2: memref<3840x1024xf32, #tpu.memory_space<hbm>>, %arg3: memref<2048xi32, #tpu.memory_space<hbm>>, %arg4: memref<2048x1024xf32, #tpu.memory_space<hbm>>, %arg5: memref<64xi32, #tpu.memory_space<vmem>>, %arg6: memref<64x1024xf32, #tpu.memory_space<vmem>>, %arg7: memref<!tpu.dma_semaphore, #tpu.memory_space<semaphore_mem>>) attributes {dimension_semantics = [#tpu.dimension_semantics<core_parallel>, #tpu.dimension_semantics<subcore_parallel>], iteration_bounds = array<i64: 2, 16>, scalar_prefetch = 0 : i64, scratch_operands = 3 : i64, tpu.core_type = #tpu.core_type<sc_vector_subcore>, window_params = [{transform_indices = #map}, {transform_indices = #map1}, {transform_indices = #map}]} {
    %mul3A = arith.constant 2 : i32
    %mul3A_0 = arith.muli %arg1, %mul3A : i32
    %add3A = arith.addi %mul3A_0, %arg0 : i32
    %mul3A_1 = arith.constant 64 : i32
    %mul3A_2 = arith.muli %add3A, %mul3A_1 : i32
    "tpu.region"() ({
      %run_scoped3A = tpu.sem_alloc : memref<!tpu.dma_semaphore, #tpu.memory_space<semaphore_mem>>
      %dma_start3A_7 = tpu.memref_slice %arg3[%mul3A_2] : memref<2048xi32, #tpu.memory_space<hbm>> -> memref<64xi32, #tpu.memory_space<hbm>>
      %dma_start3A_8 = tpu.memref_slice %arg3[%mul3A_2] : memref<2048xi32, #tpu.memory_space<hbm>> -> memref<64xi32, #tpu.memory_space<hbm>>
      tpu.enqueue_dma source(%dma_start3A_8 : memref<64xi32, #tpu.memory_space<hbm>>) target(%arg5 : memref<64xi32, #tpu.memory_space<vmem>>) target_semaphore(%run_scoped3A : memref<!tpu.dma_semaphore, #tpu.memory_space<semaphore_mem>>)
      %dma_wait3A_9 = tpu.memref_slice %arg3[%mul3A_2] : memref<2048xi32, #tpu.memory_space<hbm>> -> memref<64xi32, #tpu.memory_space<hbm>>
      %dma_wait3A_10 = tpu.memref_slice %arg3[%mul3A_2] : memref<2048xi32, #tpu.memory_space<hbm>> -> memref<64xi32, #tpu.memory_space<hbm>>
      tpu.wait_dma2 semaphore(%run_scoped3A : memref<!tpu.dma_semaphore, #tpu.memory_space<semaphore_mem>>) src(%dma_wait3A_10 : memref<64xi32, #tpu.memory_space<hbm>>) dst(%arg5 : memref<64xi32, #tpu.memory_space<vmem>>)
      tpu.yield
    }) : () -> ()
    %dma_start3A = arith.constant 0 : i32
    %dma_start3A_3 = arith.constant 0 : i32
    %dma_start3A_4 = tpu.memref_slice %arg2[%dma_start3A, %dma_start3A_3] : memref<3840x1024xf32, #tpu.memory_space<hbm>> -> memref<3840x1024xf32, #tpu.memory_space<hbm>>
    tpu.enqueue_indirect_dma source(%dma_start3A_4 : memref<3840x1024xf32, #tpu.memory_space<hbm>>) target(%arg6 : memref<64x1024xf32, #tpu.memory_space<vmem>>) offsets(%arg5 : memref<64xi32, #tpu.memory_space<vmem>>) semaphore(%arg7 : memref<!tpu.dma_semaphore, #tpu.memory_space<semaphore_mem>>)
    %dma_wait3A = arith.constant 0 : i32
    %dma_wait3A_5 = arith.constant 0 : i32
    %dma_wait3A_6 = tpu.memref_slice %arg2[%dma_wait3A, %dma_wait3A_5] : memref<3840x1024xf32, #tpu.memory_space<hbm>> -> memref<3840x1024xf32, #tpu.memory_space<hbm>>
    tpu.wait_indirect_dma semaphore(%arg7 : memref<!tpu.dma_semaphore, #tpu.memory_space<semaphore_mem>>) src(%dma_wait3A_6 : memref<3840x1024xf32, #tpu.memory_space<hbm>>) dst(%arg6 : memref<64x1024xf32, #tpu.memory_space<vmem>>)
    "tpu.region"() ({
      %run_scoped3A = tpu.sem_alloc : memref<!tpu.dma_semaphore, #tpu.memory_space<semaphore_mem>>
      %dma_start3A_7 = arith.constant 0 : i32
      %dma_start3A_8 = tpu.memref_slice %arg4[%mul3A_2, %dma_start3A_7] : memref<2048x1024xf32, #tpu.memory_space<hbm>> -> memref<64x1024xf32, #tpu.memory_space<hbm>>
      %dma_start3A_9 = arith.constant 0 : i32
      %dma_start3A_10 = tpu.memref_slice %arg4[%mul3A_2, %dma_start3A_9] : memref<2048x1024xf32, #tpu.memory_space<hbm>> -> memref<64x1024xf32, #tpu.memory_space<hbm>>
      tpu.enqueue_dma source(%arg6 : memref<64x1024xf32, #tpu.memory_space<vmem>>) target(%dma_start3A_10 : memref<64x1024xf32, #tpu.memory_space<hbm>>) target_semaphore(%run_scoped3A : memref<!tpu.dma_semaphore, #tpu.memory_space<semaphore_mem>>)
      %dma_wait3A_11 = arith.constant 0 : i32
      %dma_wait3A_12 = tpu.memref_slice %arg4[%mul3A_2, %dma_wait3A_11] : memref<2048x1024xf32, #tpu.memory_space<hbm>> -> memref<64x1024xf32, #tpu.memory_space<hbm>>
      %dma_wait3A_13 = arith.constant 0 : i32
      %dma_wait3A_14 = tpu.memref_slice %arg4[%mul3A_2, %dma_wait3A_13] : memref<2048x1024xf32, #tpu.memory_space<hbm>> -> memref<64x1024xf32, #tpu.memory_space<hbm>>
      tpu.wait_dma2 semaphore(%run_scoped3A : memref<!tpu.dma_semaphore, #tpu.memory_space<semaphore_mem>>) src(%arg6 : memref<64x1024xf32, #tpu.memory_space<vmem>>) dst(%dma_wait3A_14 : memref<64x1024xf32, #tpu.memory_space<hbm>>)
      tpu.yield
    }) : () -> ()
    return
  }
}

#map = affine_map<(d0, d1) -> (0, 0)>
#map1 = affine_map<(d0, d1) -> (0)>
module attributes {stable_mosaic.version = 14 : i64} {
  func.func @_scatter_body(%arg0: i32, %arg1: i32, %arg2: memref<2048x1024xf32, #tpu.memory_space<hbm>>, %arg3: memref<2048xi32, #tpu.memory_space<hbm>>, %arg4: memref<3840x1024xf32, #tpu.memory_space<hbm>>, %arg5: memref<64xi32, #tpu.memory_space<vmem>>, %arg6: memref<64x1024xf32, #tpu.memory_space<vmem>>, %arg7: memref<!tpu.dma_semaphore, #tpu.memory_space<semaphore_mem>>) attributes {dimension_semantics = [#tpu.dimension_semantics<core_parallel>, #tpu.dimension_semantics<subcore_parallel>], iteration_bounds = array<i64: 2, 16>, scalar_prefetch = 0 : i64, scratch_operands = 3 : i64, tpu.core_type = #tpu.core_type<sc_vector_subcore>, window_params = [{transform_indices = #map}, {transform_indices = #map1}, {transform_indices = #map}]} {
    %mul3A = arith.constant 2 : i32
    %mul3A_0 = arith.muli %arg1, %mul3A : i32
    %add3A = arith.addi %mul3A_0, %arg0 : i32
    %mul3A_1 = arith.constant 64 : i32
    %mul3A_2 = arith.muli %add3A, %mul3A_1 : i32
    "tpu.region"() ({
      %run_scoped3A = tpu.sem_alloc : memref<!tpu.dma_semaphore, #tpu.memory_space<semaphore_mem>>
      %dma_start3A_7 = tpu.memref_slice %arg3[%mul3A_2] : memref<2048xi32, #tpu.memory_space<hbm>> -> memref<64xi32, #tpu.memory_space<hbm>>
      %dma_start3A_8 = tpu.memref_slice %arg3[%mul3A_2] : memref<2048xi32, #tpu.memory_space<hbm>> -> memref<64xi32, #tpu.memory_space<hbm>>
      tpu.enqueue_dma source(%dma_start3A_8 : memref<64xi32, #tpu.memory_space<hbm>>) target(%arg5 : memref<64xi32, #tpu.memory_space<vmem>>) target_semaphore(%run_scoped3A : memref<!tpu.dma_semaphore, #tpu.memory_space<semaphore_mem>>)
      %dma_wait3A_9 = tpu.memref_slice %arg3[%mul3A_2] : memref<2048xi32, #tpu.memory_space<hbm>> -> memref<64xi32, #tpu.memory_space<hbm>>
      %dma_wait3A_10 = tpu.memref_slice %arg3[%mul3A_2] : memref<2048xi32, #tpu.memory_space<hbm>> -> memref<64xi32, #tpu.memory_space<hbm>>
      tpu.wait_dma2 semaphore(%run_scoped3A : memref<!tpu.dma_semaphore, #tpu.memory_space<semaphore_mem>>) src(%dma_wait3A_10 : memref<64xi32, #tpu.memory_space<hbm>>) dst(%arg5 : memref<64xi32, #tpu.memory_space<vmem>>)
      tpu.yield
    }) : () -> ()
    "tpu.region"() ({
      %run_scoped3A = tpu.sem_alloc : memref<!tpu.dma_semaphore, #tpu.memory_space<semaphore_mem>>
      %dma_start3A_7 = arith.constant 0 : i32
      %dma_start3A_8 = tpu.memref_slice %arg2[%mul3A_2, %dma_start3A_7] : memref<2048x1024xf32, #tpu.memory_space<hbm>> -> memref<64x1024xf32, #tpu.memory_space<hbm>>
      %dma_start3A_9 = arith.constant 0 : i32
      %dma_start3A_10 = tpu.memref_slice %arg2[%mul3A_2, %dma_start3A_9] : memref<2048x1024xf32, #tpu.memory_space<hbm>> -> memref<64x1024xf32, #tpu.memory_space<hbm>>
      tpu.enqueue_dma source(%dma_start3A_10 : memref<64x1024xf32, #tpu.memory_space<hbm>>) target(%arg6 : memref<64x1024xf32, #tpu.memory_space<vmem>>) target_semaphore(%run_scoped3A : memref<!tpu.dma_semaphore, #tpu.memory_space<semaphore_mem>>)
      %dma_wait3A_11 = arith.constant 0 : i32
      %dma_wait3A_12 = tpu.memref_slice %arg2[%mul3A_2, %dma_wait3A_11] : memref<2048x1024xf32, #tpu.memory_space<hbm>> -> memref<64x1024xf32, #tpu.memory_space<hbm>>
      %dma_wait3A_13 = arith.constant 0 : i32
      %dma_wait3A_14 = tpu.memref_slice %arg2[%mul3A_2, %dma_wait3A_13] : memref<2048x1024xf32, #tpu.memory_space<hbm>> -> memref<64x1024xf32, #tpu.memory_space<hbm>>
      tpu.wait_dma2 semaphore(%run_scoped3A : memref<!tpu.dma_semaphore, #tpu.memory_space<semaphore_mem>>) src(%dma_wait3A_14 : memref<64x1024xf32, #tpu.memory_space<hbm>>) dst(%arg6 : memref<64x1024xf32, #tpu.memory_space<vmem>>)
      tpu.yield
    }) : () -> ()
    %dma_start3A = arith.constant 0 : i32
    %dma_start3A_3 = arith.constant 0 : i32
    %dma_start3A_4 = tpu.memref_slice %arg4[%dma_start3A, %dma_start3A_3] : memref<3840x1024xf32, #tpu.memory_space<hbm>> -> memref<3840x1024xf32, #tpu.memory_space<hbm>>
    tpu.enqueue_indirect_dma source(%arg6 : memref<64x1024xf32, #tpu.memory_space<vmem>>) target(%dma_start3A_4 : memref<3840x1024xf32, #tpu.memory_space<hbm>>) offsets(%arg5 : memref<64xi32, #tpu.memory_space<vmem>>) semaphore(%arg7 : memref<!tpu.dma_semaphore, #tpu.memory_space<semaphore_mem>>)
    %dma_wait3A = arith.constant 0 : i32
    %dma_wait3A_5 = arith.constant 0 : i32
    %dma_wait3A_6 = tpu.memref_slice %arg4[%dma_wait3A, %dma_wait3A_5] : memref<3840x1024xf32, #tpu.memory_space<hbm>> -> memref<3840x1024xf32, #tpu.memory_space<hbm>>
    tpu.wait_indirect_dma semaphore(%arg7 : memref<!tpu.dma_semaphore, #tpu.memory_space<semaphore_mem>>) src(%arg6 : memref<64x1024xf32, #tpu.memory_space<vmem>>) dst(%dma_wait3A_6 : memref<3840x1024xf32, #tpu.memory_space<hbm>>)
    return
  }
}

module attributes {stable_mosaic.version = 14 : i64} {
  func.func @_router_body(%arg0: i32, %arg1: memref<256x1024xf32, #tpu.memory_space<vmem>>, %arg2: memref<1024x8xf32, #tpu.memory_space<vmem>>, %arg3: memref<256x1xf32, #tpu.memory_space<vmem>>, %arg4: memref<1x16xi32, #tpu.memory_space<vmem>>, %arg5: memref<1x1xi32, #tpu.memory_space<vmem>>, %arg6: memref<2048x1xi32, #tpu.memory_space<vmem>>, %arg7: memref<1x8xf32, #tpu.memory_space<vmem>>, %arg8: memref<2048x1xi32, #tpu.memory_space<vmem>>, %arg9: memref<2048x1xi32, #tpu.memory_space<vmem>>) attributes {dimension_semantics = [#tpu.dimension_semantics<arbitrary>], iteration_bounds = array<i64: 8>, scalar_prefetch = 0 : i64, scratch_operands = 3 : i64, tpu.core_type = #tpu.core_type<tc>, window_params = [{transform_indices = @transform_0, window_bounds = array<i64: 256, 1024>}, {pipeline_mode = #tpu.pipeline_mode<synchronous>, transform_indices = @transform_1, window_bounds = array<i64: 1024, 8>}, {transform_indices = @transform_2, window_bounds = array<i64: 256, 1>}, {pipeline_mode = #tpu.pipeline_mode<synchronous>, transform_indices = @transform_3, window_bounds = array<i64: 1, 16>}, {pipeline_mode = #tpu.pipeline_mode<synchronous>, transform_indices = @transform_4, window_bounds = array<i64: 1, 1>}, {pipeline_mode = #tpu.pipeline_mode<synchronous>, transform_indices = @transform_5, window_bounds = array<i64: 2048, 1>}]} {
    %eq3A = arith.constant 0 : i32
    %eq3A_0 = arith.cmpi eq, %arg0, %eq3A : i32
    %convert_element_type3A = arith.extui %eq3A_0 : i1 to i32
    %cond3A = arith.constant 0 : i32
    %cond3A_1 = arith.cmpi ne, %convert_element_type3A, %cond3A : i32
    scf.if %cond3A_1 {
      %broadcast_in_dim3A_62 = arith.constant 0.000000e+00 : f32
      %broadcast_in_dim3A_63 = vector.broadcast %broadcast_in_dim3A_62 : f32 to vector<1x8xf32>
      %swap3A_64 = arith.constant 0 : index
      %swap3A_65 = arith.constant 0 : index
      %swap3A_66 = vector.load %arg7[%swap3A_64, %swap3A_65] : memref<1x8xf32, #tpu.memory_space<vmem>>, vector<1x8xf32>
      tpu.vector_store %arg7[%swap3A_64, %swap3A_65], %broadcast_in_dim3A_63 {strides = array<i32>} : memref<1x8xf32, #tpu.memory_space<vmem>>, vector<1x8xf32>,
    } else {
    }
    %get3A = arith.constant 0 : index
    %get3A_2 = arith.constant 0 : index
    %get3A_3 = vector.load %arg1[%get3A, %get3A_2] : memref<256x1024xf32, #tpu.memory_space<vmem>>, vector<256x1024xf32>
    %get3A_4 = arith.constant 0 : index
    %get3A_5 = arith.constant 0 : index
    %get3A_6 = vector.load %arg2[%get3A_4, %get3A_5] : memref<1024x8xf32, #tpu.memory_space<vmem>>, vector<1024x8xf32>
    %dot_general3A = arith.constant dense<0.000000e+00> : vector<256x8xf32>
    %dot_general3A_7 = tpu.matmul %get3A_3, %get3A_6, %dot_general3A {dimension_numbers = #tpu.dot_dimension_numbers<[1], [0], [0], [1], [0, 0, 1, 1], [], []>, transpose_lhs_hint = false} : vector<256x1024xf32>, vector<1024x8xf32>, vector<256x8xf32> -> vector<256x8xf32>
    %reduce_max3A = arith.constant dense<0xFF800000> : vector<256xf32>
    %reduce_max3A_8 = vector.multi_reduction <maximumf>, %dot_general3A_7, %reduce_max3A [1] : vector<256x8xf32> to vector<256xf32>
    %broadcast_in_dim3A = vector.shape_cast %reduce_max3A_8 : vector<256xf32> to vector<256x1xf32>
    %sub3A = vector.broadcast %broadcast_in_dim3A : vector<256x1xf32> to vector<256x8xf32>
    %sub3A_9 = arith.subf %dot_general3A_7, %sub3A : vector<256x8xf32>
    %exp3A = math.exp %sub3A_9 : vector<256x8xf32>
    %reduce_sum3A = arith.constant dense<0.000000e+00> : vector<256xf32>
    %reduce_sum3A_10 = vector.multi_reduction <add>, %exp3A, %reduce_sum3A [1] : vector<256x8xf32> to vector<256xf32>
    %broadcast_in_dim3A_11 = vector.shape_cast %reduce_sum3A_10 : vector<256xf32> to vector<256x1xf32>
    %div3A = vector.broadcast %broadcast_in_dim3A_11 : vector<256x1xf32> to vector<256x8xf32>
    %div3A_12 = arith.divf %exp3A, %div3A : vector<256x8xf32>
    %reduce_max3A_13 = arith.constant dense<0xFF800000> : vector<256xf32>
    %reduce_max3A_14 = vector.multi_reduction <maximumf>, %div3A_12, %reduce_max3A_13 [1] : vector<256x8xf32> to vector<256xf32>
    %broadcast_in_dim3A_15 = vector.shape_cast %reduce_max3A_14 : vector<256xf32> to vector<256x1xf32>
    %iota3A = tpu.iota {dimensions = array<i32: 1>} : vector<256x8xi32>
    %ge3A = vector.broadcast %broadcast_in_dim3A_15 : vector<256x1xf32> to vector<256x8xf32>
    %ge3A_16 = arith.cmpf oge, %div3A_12, %ge3A : vector<256x8xf32>
    %jit3A = arith.constant 8 : i32
    %broadcast_in_dim3A_17 = vector.broadcast %jit3A : i32 to vector<256x8xi32>
    %select_n3A = arith.select %ge3A_16, %iota3A, %broadcast_in_dim3A_17 : vector<256x8xi1>, vector<256x8xi32>
    %reduce_min3A = arith.constant dense<2147483647> : vector<256xi32>
    %reduce_min3A_18 = vector.multi_reduction <minsi>, %select_n3A, %reduce_min3A [1] : vector<256x8xi32> to vector<256xi32>
    %broadcast_in_dim3A_19 = vector.shape_cast %reduce_min3A_18 : vector<256xi32> to vector<256x1xi32>
    %eq3A_20 = vector.broadcast %broadcast_in_dim3A_19 : vector<256x1xi32> to vector<256x8xi32>
    %eq3A_21 = arith.cmpi eq, %iota3A, %eq3A_20 : vector<256x8xi32>
    %convert_element_type3A_22 = arith.extui %eq3A_21 : vector<256x8xi1> to vector<256x8xi32>
    %convert_element_type3A_23 = arith.sitofp %convert_element_type3A_22 : vector<256x8xi32> to vector<256x8xf32>
    %iota3A_24 = tpu.iota {dimensions = array<i32: 0>} : vector<256x256xi32>
    %iota3A_25 = tpu.iota {dimensions = array<i32: 1>} : vector<256x256xi32>
    %lt3A = arith.cmpi slt, %iota3A_25, %iota3A_24 : vector<256x256xi32>
    %convert_element_type3A_26 = arith.extui %lt3A : vector<256x256xi1> to vector<256x256xi32>
    %convert_element_type3A_27 = arith.sitofp %convert_element_type3A_26 : vector<256x256xi32> to vector<256x256xf32>
    %dot_general3A_28 = arith.constant dense<0.000000e+00> : vector<256x8xf32>
    %dot_general3A_29 = tpu.matmul %convert_element_type3A_27, %convert_element_type3A_23, %dot_general3A_28 {dimension_numbers = #tpu.dot_dimension_numbers<[1], [0], [0], [1], [0, 0, 1, 1], [], []>, transpose_lhs_hint = false} : vector<256x256xf32>, vector<256x8xf32>, vector<256x8xf32> -> vector<256x8xf32>
    %get3A_30 = arith.constant 0 : index
    %get3A_31 = arith.constant 0 : index
    %get3A_32 = vector.load %arg7[%get3A_30, %get3A_31] : memref<1x8xf32, #tpu.memory_space<vmem>>, vector<1x8xf32>
    %add3A = vector.broadcast %get3A_32 : vector<1x8xf32> to vector<256x8xf32>
    %add3A_33 = arith.addf %dot_general3A_29, %add3A : vector<256x8xf32>
    %mul3A = arith.mulf %add3A_33, %convert_element_type3A_23 : vector<256x8xf32>
    %reduce_sum3A_34 = arith.constant dense<0.000000e+00> : vector<256xf32>
    %reduce_sum3A_35 = vector.multi_reduction <add>, %mul3A, %reduce_sum3A_34 [1] : vector<256x8xf32> to vector<256xf32>
    %broadcast_in_dim3A_36 = vector.shape_cast %reduce_sum3A_35 : vector<256xf32> to vector<256x1xf32>
    %reduce_sum3A_37 = arith.constant dense<0.000000e+00> : vector<8xf32>
    %reduce_sum3A_38 = vector.multi_reduction <add>, %convert_element_type3A_23, %reduce_sum3A_37 [0] : vector<256x8xf32> to vector<8xf32>
    %broadcast_in_dim3A_39 = vector.shape_cast %reduce_sum3A_38 : vector<8xf32> to vector<1x8xf32>
    %add3A_40 = arith.addf %get3A_32, %broadcast_in_dim3A_39 : vector<1x8xf32>
    %swap3A = arith.constant 0 : index
    %swap3A_41 = arith.constant 0 : index
    %swap3A_42 = vector.load %arg7[%swap3A, %swap3A_41] : memref<1x8xf32, #tpu.memory_space<vmem>>, vector<1x8xf32>
    tpu.vector_store %arg7[%swap3A, %swap3A_41], %add3A_40 {strides = array<i32>} : memref<1x8xf32, #tpu.memory_space<vmem>>, vector<1x8xf32>,
    %swap3A_43 = arith.constant 0 : index
    %swap3A_44 = arith.constant 0 : index
    %swap3A_45 = vector.load %arg3[%swap3A_43, %swap3A_44] : memref<256x1xf32, #tpu.memory_space<vmem>>, vector<256x1xf32>
    tpu.vector_store %arg3[%swap3A_43, %swap3A_44], %broadcast_in_dim3A_15 {strides = array<i32>} : memref<256x1xf32, #tpu.memory_space<vmem>>, vector<256x1xf32>,
    %mul3A_46 = arith.constant 256 : i32
    %mul3A_47 = arith.muli %arg0, %mul3A_46 : i32
    %swap3A_48 = arith.index_cast %mul3A_47 : i32 to index
    %swap3A_49 = arith.constant 0 : index
    %swap3A_50 = vector.load %arg8[%swap3A_48, %swap3A_49] : memref<2048x1xi32, #tpu.memory_space<vmem>>, vector<256x1xi32>
    tpu.vector_store %arg8[%swap3A_48, %swap3A_49], %broadcast_in_dim3A_19 {strides = array<i32>} : memref<2048x1xi32, #tpu.memory_space<vmem>>, vector<256x1xi32>,
    %convert_element_type3A_51 = arith.fptosi %broadcast_in_dim3A_36 : vector<256x1xf32> to vector<256x1xi32>
    %mul3A_52 = arith.constant 256 : i32
    %mul3A_53 = arith.muli %arg0, %mul3A_52 : i32
    %swap3A_54 = arith.index_cast %mul3A_53 : i32 to index
    %swap3A_55 = arith.constant 0 : index
    %swap3A_56 = vector.load %arg9[%swap3A_54, %swap3A_55] : memref<2048x1xi32, #tpu.memory_space<vmem>>, vector<256x1xi32>
    tpu.vector_store %arg9[%swap3A_54, %swap3A_55], %convert_element_type3A_51 {strides = array<i32>} : memref<2048x1xi32, #tpu.memory_space<vmem>>, vector<256x1xi32>,
    %eq3A_57 = arith.constant 7 : i32
    %eq3A_58 = arith.cmpi eq, %arg0, %eq3A_57 : i32
    %convert_element_type3A_59 = arith.extui %eq3A_58 : i1 to i32
    %cond3A_60 = arith.constant 0 : i32
    %cond3A_61 = arith.cmpi ne, %convert_element_type3A_59, %cond3A_60 : i32
    scf.if %cond3A_61 {
      %get3A_62 = arith.constant 0 : index
      %get3A_63 = arith.constant 0 : index
      %get3A_64 = vector.load %arg7[%get3A_62, %get3A_63] : memref<1x8xf32, #tpu.memory_space<vmem>>, vector<1x8xf32>
      %convert_element_type3A_65 = arith.fptosi %get3A_64 : vector<1x8xf32> to vector<1x8xi32>
      %add3A_66 = arith.constant 255 : i32
      %add3A_67 = vector.broadcast %add3A_66 : i32 to vector<1x8xi32>
      %add3A_68 = arith.addi %convert_element_type3A_65, %add3A_67 : vector<1x8xi32>
      %jit3A_69 = arith.constant 256 : i32
      %div3A_70 = vector.broadcast %jit3A_69 : i32 to vector<1x8xi32>
      %div3A_71 = arith.divsi %add3A_68, %div3A_70 : vector<1x8xi32>
      %sign3A = arith.constant 0 : i32
      %sign3A_72 = vector.broadcast %sign3A : i32 to vector<1x8xi32>
      %sign3A_73 = arith.cmpi sgt, %add3A_68, %sign3A_72 : vector<1x8xi32>
      %sign3A_74 = arith.extui %sign3A_73 : vector<1x8xi1> to vector<1x8xi32>
      %sign3A_75 = arith.constant 0 : i32
      %sign3A_76 = vector.broadcast %sign3A_75 : i32 to vector<1x8xi32>
      %sign3A_77 = arith.cmpi slt, %add3A_68, %sign3A_76 : vector<1x8xi32>
      %sign3A_78 = arith.extui %sign3A_77 : vector<1x8xi1> to vector<1x8xi32>
      %sign3A_79 = arith.subi %sign3A_74, %sign3A_78 : vector<1x8xi32>
      %sign3A_80 = arith.constant 0 : i32
      %sign3A_81 = arith.cmpi sgt, %jit3A_69, %sign3A_80 : i32
      %sign3A_82 = arith.extui %sign3A_81 : i1 to i32
      %sign3A_83 = arith.constant 0 : i32
      %sign3A_84 = arith.cmpi slt, %jit3A_69, %sign3A_83 : i32
      %sign3A_85 = arith.extui %sign3A_84 : i1 to i32
      %sign3A_86 = arith.subi %sign3A_82, %sign3A_85 : i32
      %ne3A = vector.broadcast %sign3A_86 : i32 to vector<1x8xi32>
      %ne3A_87 = arith.cmpi ne, %sign3A_79, %ne3A : vector<1x8xi32>
      %rem3A = vector.broadcast %jit3A_69 : i32 to vector<1x8xi32>
      %rem3A_88 = arith.remsi %add3A_68, %rem3A : vector<1x8xi32>
      %ne3A_89 = arith.constant 0 : i32
      %ne3A_90 = vector.broadcast %ne3A_89 : i32 to vector<1x8xi32>
      %ne3A_91 = arith.cmpi ne, %rem3A_88, %ne3A_90 : vector<1x8xi32>
      %and3A = arith.andi %ne3A_87, %ne3A_91 : vector<1x8xi1>
      %sub3A_92 = arith.constant 1 : i32
      %sub3A_93 = vector.broadcast %sub3A_92 : i32 to vector<1x8xi32>
      %sub3A_94 = arith.subi %div3A_71, %sub3A_93 : vector<1x8xi32>
      %select_n3A_95 = arith.select %and3A, %sub3A_94, %div3A_71 : vector<1x8xi1>, vector<1x8xi32>
      %mul3A_96 = arith.constant 256 : i32
      %mul3A_97 = vector.broadcast %mul3A_96 : i32 to vector<1x8xi32>
      %mul3A_98 = arith.muli %select_n3A_95, %mul3A_97 : vector<1x8xi32>
      %iota3A_99 = tpu.iota {dimensions = array<i32: 0>} : vector<8x8xi32>
      %iota3A_100 = tpu.iota {dimensions = array<i32: 1>} : vector<8x8xi32>
      %lt3A_101 = arith.cmpi slt, %iota3A_99, %iota3A_100 : vector<8x8xi32>
      %convert_element_type3A_102 = arith.extui %lt3A_101 : vector<8x8xi1> to vector<8x8xi32>
      %convert_element_type3A_103 = arith.sitofp %convert_element_type3A_102 : vector<8x8xi32> to vector<8x8xf32>
      %convert_element_type3A_104 = arith.sitofp %mul3A_98 : vector<1x8xi32> to vector<1x8xf32>
      %dot_general3A_105 = arith.constant dense<0.000000e+00> : vector<1x8xf32>
      %dot_general3A_106 = tpu.matmul %convert_element_type3A_104, %convert_element_type3A_103, %dot_general3A_105 {dimension_numbers = #tpu.dot_dimension_numbers<[1], [0], [0], [1], [0, 0, 1, 1], [], []>, transpose_lhs_hint = false} : vector<1x8xf32>, vector<8x8xf32>, vector<1x8xf32> -> vector<1x8xf32>
      %convert_element_type3A_107 = arith.fptosi %dot_general3A_106 : vector<1x8xf32> to vector<1x8xi32>
      %add3A_108 = arith.addi %convert_element_type3A_107, %mul3A_98 : vector<1x8xi32>
      %iota3A_109 = tpu.iota {dimensions = array<i32: 1>} : vector<1x16xi32>
      %mul3A_110 = arith.constant 256 : i32
      %mul3A_111 = vector.broadcast %mul3A_110 : i32 to vector<1x16xi32>
      %mul3A_112 = arith.muli %iota3A_109, %mul3A_111 : vector<1x16xi32>
      %broadcast_in_dim3A_113 = arith.constant 0 : i32
      %broadcast_in_dim3A_114 = vector.broadcast %broadcast_in_dim3A_113 : i32 to vector<1x16xi32>
      %slice3A = vector.extract_strided_slice %add3A_108 {offsets = [0, 0], sizes = [1, 1], strides = [1, 1]} : vector<1x8xi32> to vector<1x1xi32>
      %ge3A_115 = vector.broadcast %slice3A : vector<1x1xi32> to vector<1x16xi32>
      %ge3A_116 = arith.cmpi sge, %mul3A_112, %ge3A_115 : vector<1x16xi32>
      %convert_element_type3A_117 = arith.extui %ge3A_116 : vector<1x16xi1> to vector<1x16xi32>
      %add3A_118 = arith.addi %broadcast_in_dim3A_114, %convert_element_type3A_117 : vector<1x16xi32>
      %slice3A_119 = vector.extract_strided_slice %add3A_108 {offsets = [0, 1], sizes = [1, 1], strides = [1, 1]} : vector<1x8xi32> to vector<1x1xi32>
      %ge3A_120 = vector.broadcast %slice3A_119 : vector<1x1xi32> to vector<1x16xi32>
      %ge3A_121 = arith.cmpi sge, %mul3A_112, %ge3A_120 : vector<1x16xi32>
      %convert_element_type3A_122 = arith.extui %ge3A_121 : vector<1x16xi1> to vector<1x16xi32>
      %add3A_123 = arith.addi %add3A_118, %convert_element_type3A_122 : vector<1x16xi32>
      %slice3A_124 = vector.extract_strided_slice %add3A_108 {offsets = [0, 2], sizes = [1, 1], strides = [1, 1]} : vector<1x8xi32> to vector<1x1xi32>
      %ge3A_125 = vector.broadcast %slice3A_124 : vector<1x1xi32> to vector<1x16xi32>
      %ge3A_126 = arith.cmpi sge, %mul3A_112, %ge3A_125 : vector<1x16xi32>
      %convert_element_type3A_127 = arith.extui %ge3A_126 : vector<1x16xi1> to vector<1x16xi32>
      %add3A_128 = arith.addi %add3A_123, %convert_element_type3A_127 : vector<1x16xi32>
      %slice3A_129 = vector.extract_strided_slice %add3A_108 {offsets = [0, 3], sizes = [1, 1], strides = [1, 1]} : vector<1x8xi32> to vector<1x1xi32>
      %ge3A_130 = vector.broadcast %slice3A_129 : vector<1x1xi32> to vector<1x16xi32>
      %ge3A_131 = arith.cmpi sge, %mul3A_112, %ge3A_130 : vector<1x16xi32>
      %convert_element_type3A_132 = arith.extui %ge3A_131 : vector<1x16xi1> to vector<1x16xi32>
      %add3A_133 = arith.addi %add3A_128, %convert_element_type3A_132 : vector<1x16xi32>
      %slice3A_134 = vector.extract_strided_slice %add3A_108 {offsets = [0, 4], sizes = [1, 1], strides = [1, 1]} : vector<1x8xi32> to vector<1x1xi32>
      %ge3A_135 = vector.broadcast %slice3A_134 : vector<1x1xi32> to vector<1x16xi32>
      %ge3A_136 = arith.cmpi sge, %mul3A_112, %ge3A_135 : vector<1x16xi32>
      %convert_element_type3A_137 = arith.extui %ge3A_136 : vector<1x16xi1> to vector<1x16xi32>
      %add3A_138 = arith.addi %add3A_133, %convert_element_type3A_137 : vector<1x16xi32>
      %slice3A_139 = vector.extract_strided_slice %add3A_108 {offsets = [0, 5], sizes = [1, 1], strides = [1, 1]} : vector<1x8xi32> to vector<1x1xi32>
      %ge3A_140 = vector.broadcast %slice3A_139 : vector<1x1xi32> to vector<1x16xi32>
      %ge3A_141 = arith.cmpi sge, %mul3A_112, %ge3A_140 : vector<1x16xi32>
      %convert_element_type3A_142 = arith.extui %ge3A_141 : vector<1x16xi1> to vector<1x16xi32>
      %add3A_143 = arith.addi %add3A_138, %convert_element_type3A_142 : vector<1x16xi32>
      %slice3A_144 = vector.extract_strided_slice %add3A_108 {offsets = [0, 6], sizes = [1, 1], strides = [1, 1]} : vector<1x8xi32> to vector<1x1xi32>
      %ge3A_145 = vector.broadcast %slice3A_144 : vector<1x1xi32> to vector<1x16xi32>
      %ge3A_146 = arith.cmpi sge, %mul3A_112, %ge3A_145 : vector<1x16xi32>
      %convert_element_type3A_147 = arith.extui %ge3A_146 : vector<1x16xi1> to vector<1x16xi32>
      %add3A_148 = arith.addi %add3A_143, %convert_element_type3A_147 : vector<1x16xi32>
      %slice3A_149 = vector.extract_strided_slice %add3A_108 {offsets = [0, 7], sizes = [1, 1], strides = [1, 1]} : vector<1x8xi32> to vector<1x1xi32>
      %ge3A_150 = vector.broadcast %slice3A_149 : vector<1x1xi32> to vector<1x16xi32>
      %ge3A_151 = arith.cmpi sge, %mul3A_112, %ge3A_150 : vector<1x16xi32>
      %convert_element_type3A_152 = arith.extui %ge3A_151 : vector<1x16xi1> to vector<1x16xi32>
      %add3A_153 = arith.addi %add3A_148, %convert_element_type3A_152 : vector<1x16xi32>
      %min3A = arith.constant 7 : i32
      %min3A_154 = vector.broadcast %min3A : i32 to vector<1x16xi32>
      %min3A_155 = arith.minsi %add3A_153, %min3A_154 : vector<1x16xi32>
      %swap3A_156 = arith.constant 0 : index
      %swap3A_157 = arith.constant 0 : index
      %swap3A_158 = vector.load %arg4[%swap3A_156, %swap3A_157] : memref<1x16xi32, #tpu.memory_space<vmem>>, vector<1x16xi32>
      tpu.vector_store %arg4[%swap3A_156, %swap3A_157], %min3A_155 {strides = array<i32>} : memref<1x16xi32, #tpu.memory_space<vmem>>, vector<1x16xi32>,
      %reduce_sum3A_159 = arith.constant dense<0> : vector<1xi32>
      %reduce_sum3A_160 = vector.multi_reduction <add>, %mul3A_98, %reduce_sum3A_159 [1] : vector<1x8xi32> to vector<1xi32>
      %broadcast_in_dim3A_161 = vector.shape_cast %reduce_sum3A_160 : vector<1xi32> to vector<1x1xi32>
      %jit3A_162 = arith.constant 256 : i32
      %div3A_163 = vector.broadcast %jit3A_162 : i32 to vector<1x1xi32>
      %div3A_164 = arith.divsi %broadcast_in_dim3A_161, %div3A_163 : vector<1x1xi32>
      %sign3A_165 = arith.constant 0 : i32
      %sign3A_166 = vector.broadcast %sign3A_165 : i32 to vector<1x1xi32>
      %sign3A_167 = arith.cmpi sgt, %broadcast_in_dim3A_161, %sign3A_166 : vector<1x1xi32>
      %sign3A_168 = arith.extui %sign3A_167 : vector<1x1xi1> to vector<1x1xi32>
      %sign3A_169 = arith.constant 0 : i32
      %sign3A_170 = vector.broadcast %sign3A_169 : i32 to vector<1x1xi32>
      %sign3A_171 = arith.cmpi slt, %broadcast_in_dim3A_161, %sign3A_170 : vector<1x1xi32>
      %sign3A_172 = arith.extui %sign3A_171 : vector<1x1xi1> to vector<1x1xi32>
      %sign3A_173 = arith.subi %sign3A_168, %sign3A_172 : vector<1x1xi32>
      %sign3A_174 = arith.constant 0 : i32
      %sign3A_175 = arith.cmpi sgt, %jit3A_162, %sign3A_174 : i32
      %sign3A_176 = arith.extui %sign3A_175 : i1 to i32
      %sign3A_177 = arith.constant 0 : i32
      %sign3A_178 = arith.cmpi slt, %jit3A_162, %sign3A_177 : i32
      %sign3A_179 = arith.extui %sign3A_178 : i1 to i32
      %sign3A_180 = arith.subi %sign3A_176, %sign3A_179 : i32
      %ne3A_181 = vector.broadcast %sign3A_180 : i32 to vector<1x1xi32>
      %ne3A_182 = arith.cmpi ne, %sign3A_173, %ne3A_181 : vector<1x1xi32>
      %rem3A_183 = vector.broadcast %jit3A_162 : i32 to vector<1x1xi32>
      %rem3A_184 = arith.remsi %broadcast_in_dim3A_161, %rem3A_183 : vector<1x1xi32>
      %ne3A_185 = arith.constant 0 : i32
      %ne3A_186 = vector.broadcast %ne3A_185 : i32 to vector<1x1xi32>
      %ne3A_187 = arith.cmpi ne, %rem3A_184, %ne3A_186 : vector<1x1xi32>
      %and3A_188 = arith.andi %ne3A_182, %ne3A_187 : vector<1x1xi1>
      %sub3A_189 = arith.constant 1 : i32
      %sub3A_190 = vector.broadcast %sub3A_189 : i32 to vector<1x1xi32>
      %sub3A_191 = arith.subi %div3A_164, %sub3A_190 : vector<1x1xi32>
      %select_n3A_192 = arith.select %and3A_188, %sub3A_191, %div3A_164 : vector<1x1xi1>, vector<1x1xi32>
      %swap3A_193 = arith.constant 0 : index
      %swap3A_194 = arith.constant 0 : index
      %swap3A_195 = vector.load %arg5[%swap3A_193, %swap3A_194] : memref<1x1xi32, #tpu.memory_space<vmem>>, vector<1x1xi32>
      tpu.vector_store %arg5[%swap3A_193, %swap3A_194], %select_n3A_192 {strides = array<i32>} : memref<1x1xi32, #tpu.memory_space<vmem>>, vector<1x1xi32>,
      %iota3A_196 = tpu.iota {dimensions = array<i32: 1>} : vector<2048x8xi32>
      %get3A_197 = arith.constant 0 : index
      %get3A_198 = arith.constant 0 : index
      %get3A_199 = vector.load %arg8[%get3A_197, %get3A_198] : memref<2048x1xi32, #tpu.memory_space<vmem>>, vector<2048x1xi32>
      %eq3A_200 = vector.broadcast %get3A_199 : vector<2048x1xi32> to vector<2048x8xi32>
      %eq3A_201 = arith.cmpi eq, %iota3A_196, %eq3A_200 : vector<2048x8xi32>
      %convert_element_type3A_202 = arith.extui %eq3A_201 : vector<2048x8xi1> to vector<2048x8xi32>
      %get3A_203 = arith.constant 0 : index
      %get3A_204 = arith.constant 0 : index
      %get3A_205 = vector.load %arg9[%get3A_203, %get3A_204] : memref<2048x1xi32, #tpu.memory_space<vmem>>, vector<2048x1xi32>
      %mul3A_206 = vector.broadcast %convert_element_type3A_107 : vector<1x8xi32> to vector<2048x8xi32>
      %mul3A_207 = arith.muli %convert_element_type3A_202, %mul3A_206 : vector<2048x8xi32>
      %reduce_sum3A_208 = arith.constant dense<0> : vector<2048xi32>
      %reduce_sum3A_209 = vector.multi_reduction <add>, %mul3A_207, %reduce_sum3A_208 [1] : vector<2048x8xi32> to vector<2048xi32>
      %broadcast_in_dim3A_210 = vector.shape_cast %reduce_sum3A_209 : vector<2048xi32> to vector<2048x1xi32>
      %add3A_211 = arith.addi %get3A_205, %broadcast_in_dim3A_210 : vector<2048x1xi32>
      %swap3A_212 = arith.constant 0 : index
      %swap3A_213 = arith.constant 0 : index
      %swap3A_214 = vector.load %arg6[%swap3A_212, %swap3A_213] : memref<2048x1xi32, #tpu.memory_space<vmem>>, vector<2048x1xi32>
      tpu.vector_store %arg6[%swap3A_212, %swap3A_213], %add3A_211 {strides = array<i32>} : memref<2048x1xi32, #tpu.memory_space<vmem>>, vector<2048x1xi32>,
    } else {
    }
    return
  }
  func.func @transform_0(%arg0: i32) -> (i32, i32) {
    %c0_i32 = arith.constant 0 : i32
    %c0_i32_0 = arith.constant 0 : i32
    return %arg0, %c0_i32 : i32, i32
  }
  func.func @transform_1(%arg0: i32) -> (i32, i32) {
    %c0_i32 = arith.constant 0 : i32
    %c0_i32_0 = arith.constant 0 : i32
    %c0_i32_1 = arith.constant 0 : i32
    return %c0_i32, %c0_i32_0 : i32, i32
  }
  func.func @transform_2(%arg0: i32) -> (i32, i32) {
    %c0_i32 = arith.constant 0 : i32
    %c0_i32_0 = arith.constant 0 : i32
    return %arg0, %c0_i32 : i32, i32
  }
  func.func @transform_3(%arg0: i32) -> (i32, i32) {
    %c0_i32 = arith.constant 0 : i32
    %c0_i32_0 = arith.constant 0 : i32
    %c0_i32_1 = arith.constant 0 : i32
    return %c0_i32, %c0_i32_0 : i32, i32
  }
  func.func @transform_4(%arg0: i32) -> (i32, i32) {
    %c0_i32 = arith.constant 0 : i32
    %c0_i32_0 = arith.constant 0 : i32
    %c0_i32_1 = arith.constant 0 : i32
    return %c0_i32, %c0_i32_0 : i32, i32
  }
  func.func @transform_5(%arg0: i32) -> (i32, i32) {
    %c0_i32 = arith.constant 0 : i32
    %c0_i32_0 = arith.constant 0 : i32
    %c0_i32_1 = arith.constant 0 : i32
    return %c0_i32, %c0_i32_0 : i32, i32
  }
}

module attributes {stable_mosaic.version = 14 : i64} {
  func.func @_combine_body(%arg0: i32, %arg1: memref<512x1024xf32, #tpu.memory_space<vmem>>, %arg2: memref<512x1xf32, #tpu.memory_space<vmem>>, %arg3: memref<512x1024xf32, #tpu.memory_space<vmem>>, %arg4: memref<512x1024xf32, #tpu.memory_space<vmem>>) attributes {dimension_semantics = [#tpu.dimension_semantics<arbitrary>], iteration_bounds = array<i64: 4>, scalar_prefetch = 0 : i64, scratch_operands = 0 : i64, tpu.core_type = #tpu.core_type<tc>, window_params = [{transform_indices = @transform_0, window_bounds = array<i64: 512, 1024>}, {transform_indices = @transform_1, window_bounds = array<i64: 512, 1>}, {transform_indices = @transform_2, window_bounds = array<i64: 512, 1024>}, {transform_indices = @transform_3, window_bounds = array<i64: 512, 1024>}]} {
    %get3A = arith.constant 0 : index
    %get3A_0 = arith.constant 0 : index
    %get3A_1 = vector.load %arg2[%get3A, %get3A_0] : memref<512x1xf32, #tpu.memory_space<vmem>>, vector<512x1xf32>
    %get3A_2 = arith.constant 0 : index
    %get3A_3 = arith.constant 0 : index
    %get3A_4 = vector.load %arg1[%get3A_2, %get3A_3] : memref<512x1024xf32, #tpu.memory_space<vmem>>, vector<512x1024xf32>
    %mul3A = vector.broadcast %get3A_1 : vector<512x1xf32> to vector<512x1024xf32>
    %mul3A_5 = arith.mulf %mul3A, %get3A_4 : vector<512x1024xf32>
    %get3A_6 = arith.constant 0 : index
    %get3A_7 = arith.constant 0 : index
    %get3A_8 = vector.load %arg3[%get3A_6, %get3A_7] : memref<512x1024xf32, #tpu.memory_space<vmem>>, vector<512x1024xf32>
    %add3A = arith.addf %mul3A_5, %get3A_8 : vector<512x1024xf32>
    %swap3A = arith.constant 0 : index
    %swap3A_9 = arith.constant 0 : index
    %swap3A_10 = vector.load %arg4[%swap3A, %swap3A_9] : memref<512x1024xf32, #tpu.memory_space<vmem>>, vector<512x1024xf32>
    tpu.vector_store %arg4[%swap3A, %swap3A_9], %add3A {strides = array<i32>} : memref<512x1024xf32, #tpu.memory_space<vmem>>, vector<512x1024xf32>,
    return
  }
  func.func @transform_0(%arg0: i32) -> (i32, i32) {
    %c0_i32 = arith.constant 0 : i32
    %c0_i32_0 = arith.constant 0 : i32
    return %arg0, %c0_i32 : i32, i32
  }
  func.func @transform_1(%arg0: i32) -> (i32, i32) {
    %c0_i32 = arith.constant 0 : i32
    %c0_i32_0 = arith.constant 0 : i32
    return %arg0, %c0_i32 : i32, i32
  }
  func.func @transform_2(%arg0: i32) -> (i32, i32) {
    %c0_i32 = arith.constant 0 : i32
    %c0_i32_0 = arith.constant 0 : i32
    return %arg0, %c0_i32 : i32, i32
  }
  func.func @transform_3(%arg0: i32) -> (i32, i32) {
    %c0_i32 = arith.constant 0 : i32
    %c0_i32_0 = arith.constant 0 : i32
    return %arg0, %c0_i32 : i32, i32
  }
}

module attributes {stable_mosaic.version = 14 : i64} {
  func.func @_expert_body(%arg0: i32, %arg1: memref<16xi32, #tpu.memory_space<smem>>, %arg2: memref<1xi32, #tpu.memory_space<smem>>, %arg3: memref<256x1024xf32, #tpu.memory_space<vmem>>, %arg4: memref<1x1024x512xf32, #tpu.memory_space<vmem>>, %arg5: memref<1x512x1024xf32, #tpu.memory_space<vmem>>, %arg6: memref<256x1024xf32, #tpu.memory_space<vmem>>, %arg7: memref<1024x1024xf32, #tpu.memory_space<vmem>>, %arg8: memref<512x1024xf32, #tpu.memory_space<vmem>>, %arg9: memref<1024x1xf32, #tpu.memory_space<vmem>>, %arg10: memref<256x1024xf32, #tpu.memory_space<vmem>>, %arg11: memref<256x1024xf32, #tpu.memory_space<vmem>>) attributes {dimension_semantics = [#tpu.dimension_semantics<arbitrary>], iteration_bounds = array<i64: 15>, scalar_prefetch = 2 : i64, scratch_operands = 0 : i64, tpu.core_type = #tpu.core_type<tc>, window_params = [{transform_indices = @transform_0, window_bounds = array<i64: 256, 1024>}, {transform_indices = @transform_1, window_bounds = array<i64: 1, 1024, 512>}, {transform_indices = @transform_2, window_bounds = array<i64: 1, 512, 1024>}, {transform_indices = @transform_3, window_bounds = array<i64: 256, 1024>}, {pipeline_mode = #tpu.pipeline_mode<synchronous>, transform_indices = @transform_4, window_bounds = array<i64: 1024, 1024>}, {pipeline_mode = #tpu.pipeline_mode<synchronous>, transform_indices = @transform_5, window_bounds = array<i64: 512, 1024>}, {pipeline_mode = #tpu.pipeline_mode<synchronous>, transform_indices = @transform_6, window_bounds = array<i64: 1024, 1>}, {transform_indices = @transform_7, window_bounds = array<i64: 256, 1024>}, {transform_indices = @transform_8, window_bounds = array<i64: 256, 1024>}]} {
    %get3A = arith.constant 0 : index
    %get3A_0 = memref.load %arg2[%get3A] : memref<1xi32, #tpu.memory_space<smem>>
    %lt3A = arith.cmpi slt, %arg0, %get3A_0 : i32
    %convert_element_type3A = arith.extui %lt3A : i1 to i32
    %cond3A = arith.constant 0 : i32
    %cond3A_1 = arith.cmpi ne, %convert_element_type3A, %cond3A : i32
    scf.if %cond3A_1 {
      %get3A_7 = arith.constant 0 : index
      %get3A_8 = arith.constant 0 : index
      %get3A_9 = vector.load %arg3[%get3A_7, %get3A_8] : memref<256x1024xf32, #tpu.memory_space<vmem>>, vector<256x1024xf32>
      %get3A_10 = arith.constant 0 : index
      %get3A_11 = arith.constant 0 : index
      %get3A_12 = arith.constant 0 : index
      %get3A_13 = vector.load %arg4[%get3A_10, %get3A_11, %get3A_12] : memref<1x1024x512xf32, #tpu.memory_space<vmem>>, vector<1x1024x512xf32>
      %get3A_14 = vector.shape_cast %get3A_13 : vector<1x1024x512xf32> to vector<1024x512xf32>
      %dot_general3A = arith.constant dense<0.000000e+00> : vector<256x512xf32>
      %dot_general3A_15 = tpu.matmul %get3A_9, %get3A_14, %dot_general3A {dimension_numbers = #tpu.dot_dimension_numbers<[1], [0], [0], [1], [0, 0, 1, 1], [], []>, transpose_lhs_hint = false} : vector<256x1024xf32>, vector<1024x512xf32>, vector<256x512xf32> -> vector<256x512xf32>
      %logistic3A = arith.negf %dot_general3A_15 : vector<256x512xf32>
      %logistic3A_16 = math.exp %logistic3A : vector<256x512xf32>
      %logistic3A_17 = arith.constant 1.000000e+00 : f32
      %logistic3A_18 = vector.broadcast %logistic3A_17 : f32 to vector<256x512xf32>
      %logistic3A_19 = arith.addf %logistic3A_18, %logistic3A_16 : vector<256x512xf32>
      %logistic3A_20 = arith.divf %logistic3A_18, %logistic3A_19 : vector<256x512xf32>
      %mul3A = arith.mulf %dot_general3A_15, %logistic3A_20 : vector<256x512xf32>
      %get3A_21 = arith.constant 0 : index
      %get3A_22 = arith.constant 0 : index
      %get3A_23 = arith.constant 0 : index
      %get3A_24 = vector.load %arg5[%get3A_21, %get3A_22, %get3A_23] : memref<1x512x1024xf32, #tpu.memory_space<vmem>>, vector<1x512x1024xf32>
      %get3A_25 = vector.shape_cast %get3A_24 : vector<1x512x1024xf32> to vector<512x1024xf32>
      %dot_general3A_26 = arith.constant dense<0.000000e+00> : vector<256x1024xf32>
      %dot_general3A_27 = tpu.matmul %mul3A, %get3A_25, %dot_general3A_26 {dimension_numbers = #tpu.dot_dimension_numbers<[1], [0], [0], [1], [0, 0, 1, 1], [], []>, transpose_lhs_hint = false} : vector<256x512xf32>, vector<512x1024xf32>, vector<256x1024xf32> -> vector<256x1024xf32>
      %swap3A = arith.constant 0 : index
      %swap3A_28 = arith.constant 0 : index
      %swap3A_29 = vector.load %arg10[%swap3A, %swap3A_28] : memref<256x1024xf32, #tpu.memory_space<vmem>>, vector<256x1024xf32>
      tpu.vector_store %arg10[%swap3A, %swap3A_28], %dot_general3A_27 {strides = array<i32>} : memref<256x1024xf32, #tpu.memory_space<vmem>>, vector<256x1024xf32>,
    } else {
    }
    %lt3A_2 = arith.constant 8 : i32
    %lt3A_3 = arith.cmpi slt, %arg0, %lt3A_2 : i32
    %convert_element_type3A_4 = arith.extui %lt3A_3 : i1 to i32
    %cond3A_5 = arith.constant 0 : i32
    %cond3A_6 = arith.cmpi ne, %convert_element_type3A_4, %cond3A_5 : i32
    scf.if %cond3A_6 {
      %get3A_7 = arith.constant 0 : index
      %get3A_8 = arith.constant 0 : index
      %get3A_9 = vector.load %arg6[%get3A_7, %get3A_8] : memref<256x1024xf32, #tpu.memory_space<vmem>>, vector<256x1024xf32>
      %get3A_10 = arith.constant 0 : index
      %get3A_11 = arith.constant 0 : index
      %get3A_12 = vector.load %arg7[%get3A_10, %get3A_11] : memref<1024x1024xf32, #tpu.memory_space<vmem>>, vector<1024x1024xf32>
      %dot_general3A = arith.constant dense<0.000000e+00> : vector<256x1024xf32>
      %dot_general3A_13 = tpu.matmul %get3A_9, %get3A_12, %dot_general3A {dimension_numbers = #tpu.dot_dimension_numbers<[1], [0], [0], [1], [0, 0, 1, 1], [], []>, transpose_lhs_hint = false} : vector<256x1024xf32>, vector<1024x1024xf32>, vector<256x1024xf32> -> vector<256x1024xf32>
      %slice3A = vector.extract_strided_slice %dot_general3A_13 {offsets = [0, 0], sizes = [256, 512], strides = [1, 1]} : vector<256x1024xf32> to vector<256x512xf32>
      %slice3A_14 = vector.extract_strided_slice %dot_general3A_13 {offsets = [0, 512], sizes = [256, 512], strides = [1, 1]} : vector<256x1024xf32> to vector<256x512xf32>
      %logistic3A = arith.negf %slice3A : vector<256x512xf32>
      %logistic3A_15 = math.exp %logistic3A : vector<256x512xf32>
      %logistic3A_16 = arith.constant 1.000000e+00 : f32
      %logistic3A_17 = vector.broadcast %logistic3A_16 : f32 to vector<256x512xf32>
      %logistic3A_18 = arith.addf %logistic3A_17, %logistic3A_15 : vector<256x512xf32>
      %logistic3A_19 = arith.divf %logistic3A_17, %logistic3A_18 : vector<256x512xf32>
      %mul3A = arith.mulf %slice3A, %logistic3A_19 : vector<256x512xf32>
      %mul3A_20 = arith.mulf %mul3A, %slice3A_14 : vector<256x512xf32>
      %get3A_21 = arith.constant 0 : index
      %get3A_22 = arith.constant 0 : index
      %get3A_23 = vector.load %arg8[%get3A_21, %get3A_22] : memref<512x1024xf32, #tpu.memory_space<vmem>>, vector<512x1024xf32>
      %dot_general3A_24 = arith.constant dense<0.000000e+00> : vector<256x1024xf32>
      %dot_general3A_25 = tpu.matmul %mul3A_20, %get3A_23, %dot_general3A_24 {dimension_numbers = #tpu.dot_dimension_numbers<[1], [0], [0], [1], [0, 0, 1, 1], [], []>, transpose_lhs_hint = false} : vector<256x512xf32>, vector<512x1024xf32>, vector<256x1024xf32> -> vector<256x1024xf32>
      %get3A_26 = arith.constant 0 : index
      %get3A_27 = arith.constant 0 : index
      %get3A_28 = vector.load %arg9[%get3A_26, %get3A_27] : memref<1024x1xf32, #tpu.memory_space<vmem>>, vector<1024x1xf32>
      %dot_general3A_29 = arith.constant dense<0.000000e+00> : vector<256x1xf32>
      %dot_general3A_30 = tpu.matmul %get3A_9, %get3A_28, %dot_general3A_29 {dimension_numbers = #tpu.dot_dimension_numbers<[1], [0], [0], [1], [0, 0, 1, 1], [], []>, transpose_lhs_hint = false} : vector<256x1024xf32>, vector<1024x1xf32>, vector<256x1xf32> -> vector<256x1xf32>
      %logistic3A_31 = arith.negf %dot_general3A_30 : vector<256x1xf32>
      %logistic3A_32 = math.exp %logistic3A_31 : vector<256x1xf32>
      %logistic3A_33 = arith.constant 1.000000e+00 : f32
      %logistic3A_34 = vector.broadcast %logistic3A_33 : f32 to vector<256x1xf32>
      %logistic3A_35 = arith.addf %logistic3A_34, %logistic3A_32 : vector<256x1xf32>
      %logistic3A_36 = arith.divf %logistic3A_34, %logistic3A_35 : vector<256x1xf32>
      %mul3A_37 = vector.broadcast %logistic3A_36 : vector<256x1xf32> to vector<256x1024xf32>
      %mul3A_38 = arith.mulf %mul3A_37, %dot_general3A_25 : vector<256x1024xf32>
      %swap3A = arith.constant 0 : index
      %swap3A_39 = arith.constant 0 : index
      %swap3A_40 = vector.load %arg11[%swap3A, %swap3A_39] : memref<256x1024xf32, #tpu.memory_space<vmem>>, vector<256x1024xf32>
      tpu.vector_store %arg11[%swap3A, %swap3A_39], %mul3A_38 {strides = array<i32>} : memref<256x1024xf32, #tpu.memory_space<vmem>>, vector<256x1024xf32>,
    } else {
    }
    return
  }
  func.func @transform_0(%arg0: i32, %arg1: memref<16xi32, #tpu.memory_space<smem>>, %arg2: memref<1xi32, #tpu.memory_space<smem>>) -> (i32, i32) {
    %get3A = arith.constant 0 : index
    %get3A_0 = memref.load %arg2[%get3A] : memref<1xi32, #tpu.memory_space<smem>>
    %sub3A = arith.constant 1 : i32
    %sub3A_1 = arith.subi %get3A_0, %sub3A : i32
    %min3A = arith.minsi %arg0, %sub3A_1 : i32
    %c0_i32 = arith.constant 0 : i32
    %c0_i32_2 = arith.constant 0 : i32
    return %min3A, %c0_i32 : i32, i32
  }
  func.func @transform_1(%arg0: i32, %arg1: memref<16xi32, #tpu.memory_space<smem>>, %arg2: memref<1xi32, #tpu.memory_space<smem>>) -> (i32, i32, i32) {
    %get3A = arith.index_cast %arg0 : i32 to index
    %get3A_0 = memref.load %arg1[%get3A] : memref<16xi32, #tpu.memory_space<smem>>
    %c0_i32 = arith.constant 0 : i32
    %c0_i32_1 = arith.constant 0 : i32
    %c0_i32_2 = arith.constant 0 : i32
    return %get3A_0, %c0_i32, %c0_i32_1 : i32, i32, i32
  }
  func.func @transform_2(%arg0: i32, %arg1: memref<16xi32, #tpu.memory_space<smem>>, %arg2: memref<1xi32, #tpu.memory_space<smem>>) -> (i32, i32, i32) {
    %get3A = arith.index_cast %arg0 : i32 to index
    %get3A_0 = memref.load %arg1[%get3A] : memref<16xi32, #tpu.memory_space<smem>>
    %c0_i32 = arith.constant 0 : i32
    %c0_i32_1 = arith.constant 0 : i32
    %c0_i32_2 = arith.constant 0 : i32
    return %get3A_0, %c0_i32, %c0_i32_1 : i32, i32, i32
  }
  func.func @transform_3(%arg0: i32, %arg1: memref<16xi32, #tpu.memory_space<smem>>, %arg2: memref<1xi32, #tpu.memory_space<smem>>) -> (i32, i32) {
    %min3A = arith.constant 7 : i32
    %min3A_0 = arith.minsi %arg0, %min3A : i32
    %c0_i32 = arith.constant 0 : i32
    %c0_i32_1 = arith.constant 0 : i32
    return %min3A_0, %c0_i32 : i32, i32
  }
  func.func @transform_4(%arg0: i32, %arg1: memref<16xi32, #tpu.memory_space<smem>>, %arg2: memref<1xi32, #tpu.memory_space<smem>>) -> (i32, i32) {
    %c0_i32 = arith.constant 0 : i32
    %c0_i32_0 = arith.constant 0 : i32
    %c0_i32_1 = arith.constant 0 : i32
    return %c0_i32, %c0_i32_0 : i32, i32
  }
  func.func @transform_5(%arg0: i32, %arg1: memref<16xi32, #tpu.memory_space<smem>>, %arg2: memref<1xi32, #tpu.memory_space<smem>>) -> (i32, i32) {
    %c0_i32 = arith.constant 0 : i32
    %c0_i32_0 = arith.constant 0 : i32
    %c0_i32_1 = arith.constant 0 : i32
    return %c0_i32, %c0_i32_0 : i32, i32
  }
  func.func @transform_6(%arg0: i32, %arg1: memref<16xi32, #tpu.memory_space<smem>>, %arg2: memref<1xi32, #tpu.memory_space<smem>>) -> (i32, i32) {
    %c0_i32 = arith.constant 0 : i32
    %c0_i32_0 = arith.constant 0 : i32
    %c0_i32_1 = arith.constant 0 : i32
    return %c0_i32, %c0_i32_0 : i32, i32
  }
  func.func @transform_7(%arg0: i32, %arg1: memref<16xi32, #tpu.memory_space<smem>>, %arg2: memref<1xi32, #tpu.memory_space<smem>>) -> (i32, i32) {
    %get3A = arith.constant 0 : index
    %get3A_0 = memref.load %arg2[%get3A] : memref<1xi32, #tpu.memory_space<smem>>
    %sub3A = arith.constant 1 : i32
    %sub3A_1 = arith.subi %get3A_0, %sub3A : i32
    %min3A = arith.minsi %arg0, %sub3A_1 : i32
    %c0_i32 = arith.constant 0 : i32
    %c0_i32_2 = arith.constant 0 : i32
    return %min3A, %c0_i32 : i32, i32
  }
  func.func @transform_8(%arg0: i32, %arg1: memref<16xi32, #tpu.memory_space<smem>>, %arg2: memref<1xi32, #tpu.memory_space<smem>>) -> (i32, i32) {
    %min3A = arith.constant 7 : i32
    %min3A_0 = arith.minsi %arg0, %min3A : i32
    %c0_i32 = arith.constant 0 : i32
    %c0_i32_1 = arith.constant 0 : i32
    return %min3A_0, %c0_i32 : i32, i32
  }
}

</mosaic_0001>

<sc_bundles>
// kernel: kernel.10.cloned.1.call-start
scs
__scs_entry_jumppad:
0x0: {  	(pc) =	sbr.rel $0x88, $3  }
0x1: {  	(tag) =	ssettag $0x0;
	lr =	simm.s32 $0x1  }
0x2: {  	[smem:$0x3F9A] =	sst lr;
	_ =	strace $0xD0000000  }
0x3: {  	_ = 	snop  }
0x4: {  	_ = 	snop  }
0x5: {  	_ = 	snop  }
0x6: {  	_ = 	snop  }
0x7: {  	_ = 	snop  }
__scs_overlays_trampoline_lowered:
0x8: {  	[smem:$0x3FA9] =	sst s0  }
0x9: {  	[smem:$0x3FAA] =	sst s1  }
0xa: {  	[smem:$0x3FAB] =	sst s2  }
0xb: {  	[smem:$0x3FAC] =	sst s3  }
0xc: {  	[smem:$0x3FAD] =	sst s4  }
0xd: {  	[smem:$0x3FAE] =	sst s5  }
0xe: {  	[smem:$0x3FAF] =	sst s6  }
0xf: {  	[smem:$0x3FB0] =	sst s7  }
0x10: {  	[smem:$0x3FB1] =	sst s8  }
0x11: {  	[smem:$0x3FB2] =	sst s9;
	s0 =	simm.s32 @!p0 $0x0  }
0x12: {  	s1 =	sld [smem:$0x3F98];
	s0 =	simm.s32 @p0 $0x1  }
0x13: {  	[smem:$0x3FB3] =	sst s0;
	s0 =	simm.s32 @!p1 $0x0  }
0x14: {  	s2 =	sld [smem:$0x3F97];
	s0 =	simm.s32 @p1 $0x1  }
0x15: {  	[smem:$0x3FB4] =	sst s0;
	s0 =	simm.s32 @!p2 $0x0  }
0x16: {  	s3 =	sld [smem:$0x3FDB];
	s0 =	simm.s32 @p2 $0x1  }
0x17: {  	s4 =	simm.s32 $0x1BF5;
	[smem:$0x3FB6] =	sst s0  }
0x18: {  	s0 =	sld [smem:$0x3F99];
	_ =	swait.ge [sflag:s4], $0x0  }
0x19: {  	s7 =	sld [smem:$0x3F9A]  }
0x1a: {  	s8 =	sadd.s32 $0xFFFFE003, lr  }
0x1b: {  	s9 =	sadd.s32 $0xFFFFFEF7, lr;
	s5 =	simm.s32 $0xFFFFFFFF;
	p2 =	slt.u32 s8, $0xFFFFF086  }
0x1c: {  	p1 =	slt.u32 s9, $0xF7A;
	s5 =	simm.s32 @!p2 $0x0  }
0x1d: {  	s5 =	simm.s32 @p1 $0x1;
	p0 =	seq.s32 s7, s2  }
0x1e: {  	s7 =	smul.u32 @!p0 $0xF7A, s2;
	p2 =	seq.s32 @!p0 s5, $0x0  }
0x1f: {  	s9 =	smul.u32 $0xF7A, s1;
	s8 =	simm.s32 @!p0 $0x1BF5;
	p2 =	por !p2, p0  }
0x20: {  	[sflag:s8] =	ssyncset.s32 @!p0 $0xFFFFF086;
	s6 =	sadd.s32 @!p0 s3, s7;
	s7 =	simm.s32 @!p0 $0x108  }
0x21: {  	s3 =	sadd.s32 s3, s9;
	s6 =	sadd.s32 @!p0 $0x88, s6;
	s7 =	simm.s32 @p2 $0x1082  }
0x22: {  	[simem:s7], [sflag:s8] =	dma.local @!p0 [hbm:s6], $0xF7A  }
0x23: {  	s9 =	sor.u32 $0xD0000000, s2;
	s6 =	simm.s32 $0x108;
	_ =	swait.ge @!p0 [sflag:s8], $0x0  }
0x24: {  	s3 =	sadd.s32 $0x88, s3;
	s6 =	simm.s32 @!p1 $0x1082;
	[sflag:s4] =	ssyncset.s32 $0xFFFFF086  }
0x25: {  	[simem:s6], [sflag:s4] =	dma.local [hbm:s3], $0xF7A  }
0x26: {  	[smem:$0x3F9A] =	sst s1;
	(tag) =	ssettag s2;
	_ =	strace s9  }
0x27: {  	s1 =	sld [smem:$0x3FAA]  }
0x28: {  	s2 =	sld [smem:$0x3FAB]  }
0x29: {  	s4 =	sld [smem:$0x3FAD]  }
0x2a: {  	p0 =	seq.s32 s5, $0x0;
	s5 =	sld [smem:$0x3FAE]  }
0x2b: {  	s6 =	sld [smem:$0x3FAF]  }
0x2c: {  	s7 =	sld [smem:$0x3FB0]  }
0x2d: {  	s3 =	simm.s32 $0x108;
	s8 =	sld [smem:$0x3FB1]  }
0x2e: {  	s3 =	simm.s32 @!p0 $0x1082;
	s9 =	sld [smem:$0x3FB2]  }
0x2f: {  	lr =	sadd.s32 s0, s3;
	s0 =	sld [smem:$0x3FA9]  }
0x30: {  	s3 =	sld [smem:$0x3FAC]  }
0x31: {  	[smem:$0x3FB5] =	sst s10  }
0x32: {  	s10 =	sld [smem:$0x3FB3];
	_ =	sdelay $0x3  }
0x33: {  	p0 =	seq.s32 s10, $0x1;
	s10 =	sld [smem:$0x3FB5];
	_ =	sdelay $0x3  }
0x34: {  	[smem:$0x3FB5] =	sst s10  }
0x35: {  	s10 =	sld [smem:$0x3FB4];
	_ =	sdelay $0x3  }
0x36: {  	p1 =	seq.s32 s10, $0x1;
	s10 =	sld [smem:$0x3FB5];
	_ =	sdelay $0x3  }
0x37: {  	[smem:$0x3FB5] =	sst s10  }
0x38: {  	s10 =	sld [smem:$0x3FB6]  }
0x39: {  	_ = 	snop;
	(pc) =	sbr.ind lr, $3  }
0x3a: {  	_ = 	snop  }
0x3b: {  	_ = 	snop  }
0x3c: {  	p2 =	seq.s32 s10, $0x1;
	s10 =	sld [smem:$0x3FB5]  }
0x3d: {  	_ =	shalt  }
0x3e: {  	_ =	shalt  }
0x3f: {  	_ =	shalt  }
0x40: {  	_ =	shalt  }
0x41: {  	_ =	shalt  }
0x42: {  	_ =	shalt  }
0x43: {  	_ =	shalt  }
0x44: {  	_ =	shalt  }
0x45: {  	_ =	shalt  }
0x46: {  	_ =	shalt  }
0x47: {  	_ =	shalt  }
0x48: {  	_ =	shalt  }
0x49: {  	_ =	shalt  }
0x4a: {  	_ =	shalt  }
0x4b: {  	_ =	shalt  }
0x4c: {  	_ =	shalt  }
0x4d: {  	_ =	shalt  }
0x4e: {  	_ =	shalt  }
0x4f: {  	_ =	shalt  }
0x50: {  	_ =	shalt  }
0x51: {  	_ =	shalt  }
0x52: {  	_ =	shalt  }
0x53: {  	_ =	shalt  }
0x54: {  	_ =	shalt  }
0x55: {  	_ =	shalt  }
0x56: {  	_ =	shalt  }
0x57: {  	_ =	shalt  }
0x58: {  	_ =	shalt  }
0x59: {  	_ =	shalt  }
0x5a: {  	_ =	shalt  }
0x5b: {  	_ =	shalt  }
0x5c: {  	_ =	shalt  }
0x5d: {  	_ =	shalt  }
0x5e: {  	_ =	shalt  }
0x5f: {  	_ =	shalt  }
0x60: {  	_ =	shalt  }
0x61: {  	_ =	shalt  }
0x62: {  	_ =	shalt  }
0x63: {  	_ =	shalt  }
0x64: {  	_ =	shalt  }
0x65: {  	_ =	shalt  }
0x66: {  	_ =	shalt  }
0x67: {  	_ =	shalt  }
0x68: {  	_ =	shalt  }
0x69: {  	_ =	shalt  }
0x6a: {  	_ =	shalt  }
0x6b: {  	_ =	shalt  }
0x6c: {  	_ =	shalt  }
0x6d: {  	_ =	shalt  }
0x6e: {  	_ =	shalt  }
0x6f: {  	_ =	shalt  }
0x70: {  	_ =	shalt  }
0x71: {  	_ =	shalt  }
0x72: {  	_ =	shalt  }
0x73: {  	_ =	shalt  }
0x74: {  	_ =	shalt  }
0x75: {  	_ =	shalt  }
0x76: {  	_ =	shalt  }
0x77: {  	_ =	shalt  }
0x78: {  	_ =	shalt  }
0x79: {  	_ =	shalt  }
0x7a: {  	_ =	shalt  }
0x7b: {  	_ =	shalt  }
0x7c: {  	_ =	shalt  }
0x7d: {  	_ =	shalt  }
0x7e: {  	_ =	shalt  }
0x7f: {  	_ =	shalt  }
0x80: {  	_ =	shalt  }
0x81: {  	_ =	shalt  }
0x82: {  	_ =	shalt  }
0x83: {  	_ =	shalt  }
0x84: {  	_ =	shalt  }
0x85: {  	_ =	shalt  }
0x86: {  	_ =	shalt  }
0x87: {  	_ =	shalt  }
.Lfunc_end0:
.L_simem_size_0:
called_computation.1_lowered:
.L_overlay_start_0:
0x88: {  	s2 =	sld [smem:$0x3FD9]  }
0x89: {  	s3 =	sld [smem:$0x3FFE];
	_ =	sdelay $0x1  }
0x8a: {  	s1 =	srdreg.scid  }
0x8b: {  	s0 =	sand.u32 $0x1, s1  }
0x8c: {  	s17 =	sshll.u32 s0, $0xA;
	s2 =	sadd.s32 s3, s2  }
0x8d: {  	s2 =	sadd.s32 s2, s17  }
0x8e: {  	[smem:$0x3FC1] =	sst s2  }
0x8f: {  	_ = 	snop  }
0x90: {  	s2 =	sld [smem:$0x3FD0];
	(tm) =	ssettm $0x1  }
0x91: {  	s18 =	sld [smem:$0x3FFB];
	_ =	sdelay $0x3  }
0x92: {  	_ =	strace s18  }
0x93: {  	s3 =	sld [smem:$0x3FFC];
	_ =	sdelay $0x3  }
0x94: {  	_ =	strace s3  }
0x95: {  	s3 =	sld [smem:$0x3FFD];
	_ =	sdelay $0x3  }
0x96: {  	_ =	strace s3  }
0x97: {  	_ =	strace $0x8FFFFFFF  }
0x98: {  	s19 =	sld [smem:$0x3FDB];
	_ =	sdelay $0x1  }
0x99: {  	s4 =	simm.s32 $_scs_section_size  }
0x9a: {  	s5 =	simm.s32 $_size__tile_overlayer_lowered;
	s6 =	simm.s32 $_tile_overlayer_lowered  }
0x9b: {  	s22 =	simm.s32 $0x1BFF;
	s21 =	sshll.u32 s6, $0x1;
	s3 =	sadd.s32 s4, s19  }
0x9c: {  	s7 =	simm.s32 $0x0;
	s20 =	sshll.u32 s5, $0x1;
	s5 =	sadd.s32 s21, s3  }
0x9d: {  	[timem:s7], [sflag:s22] =	dma.local [hbm:s5], s20  }
0x9e: {  	_ =	swait.ge [sflag:s22], s20  }
0x9f: {  	s4 =	ssub.s32 $0x0, s20;
	[sflag:s22] =	ssyncset.done $0x0  }
0xa0: {  	[sflag:s22] =	ssyncadd.s32 s4;
	_ =	sdelay $0x1  }
0xa1: {  	s23 =	simm.s32 $0x1B8B  }
0xa2: {  	_ =	swait.ge [sflag:s23], $0x1  }
0xa3: {  	[sflag:s23] =	ssyncset.done $0x0  }
0xa4: {  	s25 =	simm.s32 $0x1B8E;
	s24 =	sld [smem:$0x3FFE];
	[sflag:s23] =	ssyncadd.s32 $0xFFFFFFFF  }
0xa5: {  	s26 =	simm.s32 $execute0_lowered;
	[smem:$0x3FD2] =	sst s25  }
0xa6: {  	s5 =	sshll.u32 s26, $0x1;
	_ =	strace $0x80000049;
	[dreg:$0x1] =	wrdreg $0xFFFFFFFF  }
0xa7: {  	s28 =	simm.s32 $_size_execute0_lowered;
	s3 =	sadd.s32 s3, s5;
	[dreg:$0x0] =	wrdreg $0x0  }
0xa8: {  	s5 =	sshll.u32 s28, $0x1;
	[dreg:$0x2] =	wrdreg s3  }
0xa9: {  	[dreg:$0x3] =	wrdreg s5  }
0xaa: {  	[dreg:$0x4] =	wrdreg $0xC0  }
0xab: {  	_ =	task [dreg:s7], $0x5FFFF  }
0xac: {  	[dreg:$0x1] =	wrdreg $0xFFFFFFFF  }
0xad: {  	[dreg:$0x0] =	wrdreg $0x60  }
0xae: {  	[dreg:$0x2] =	wrdreg s24  }
0xaf: {  	[dreg:$0x3] =	wrdreg s2  }
0xb0: {  	[dreg:$0x4] =	wrdreg $0x9  }
0xb1: {  	_ =	task.clear_ibuf [dreg:s7], $0x5FFFF;
	_ =	strace $0x90000049  }
0xb2: {  	s29 =	simm.s32 $0x9;
	_ =	strace $0x8000004B  }
0xb3: {  	_ =	swait.ge [sflag:s29], $0x1  }
0xb4: {  	[sflag:s29] =	ssyncadd.s32 $0xFFFFFFFF  }
0xb5: {  	_ =	strace $0x9000004B  }
0xb6: {  	_ =	sfence  }
0xb7: {  	s30 =	sld [smem:$0x0];
	_ =	sdelay $0x2  }
0xb8: {  	s31 =	sshll.u32 s1, $0xD;
	s1 =	sshrl.u32 s1, $0x2  }
0xb9: {  	s3 =	sand.u32 $0x4000, s31;
	s1 =	sadd.s32 s1, s30  }
0xba: {  	s0 =	sor.u32 s3, s0;
	s1 =	sshll.u32 s1, $0x11  }
0xbb: {  	s0 =	sor.u32 s1, s0  }
0xbc: {  	s0 =	sadd.s32 $0x8F2B, s0  }
0xbd: {  	[sflag:s0] =	ssyncadd.remote.s32 $0x1  }
0xbe: {  	_ =	sfence.sel $0xFFFF  }
0xbf: {  	[dreg:$0x0] =	wrdreg $0xFFFFFFFF;
	(pc) =	sbr.abs _section_cstart, $3  }
0xc0: {  	[dreg:$0x1] =	wrdreg $0xFFFFFFFF  }
0xc1: {  	_ =	task.clear_ibuf [dreg:s7], $0x2FFFF;
	_ =	strace $0x9FFFFFFF  }
0xc2: {  	(tm) =	ssettm $0x7FFFFFFF  }
0xc3: {  	_ =	shalt  }
tec
execute0_lowered:
.L_overlay_start_1:
0x0: {  	(tag) =	ssettag $0x1  }
0x1: {  	s1 =	srdreg.scid  }
0x2: {  	s0 =	stileid.u32;
	s6 =	rddreg [dreg:$0x0]  }
0x3: {  	s4 =	rddreg [dreg:$0x1];
	s18 =	simm.s32 $0x880;
	s19 =	simm.s32 $0x1080  }
0x4: {  	s20 =	simm.s32 $0x1880;
	s22 =	simm.s32 $0x2080;
	s23 =	simm.s32 $0x2880  }
0x5: {  	s7 =	simm.s32 $0x3080;
	s24 =	simm.s32 $0x3880;
	s8 =	simm.s32 $0x4080  }
0x6: {  	s25 =	simm.s32 $0x4880;
	s26 =	simm.s32 $0x5080;
	s1 =	sand.u32 $0x1, s1  }
0x7: {  	s9 =	simm.s32 $0x80;
	s2 =	sshll.u32 s0, $0x7;
	s3 =	sshll.u32 s1, $0x6  }
0x8: {  	s11 =	simm.s32 $0x6080;
	s3 =	sor.u32 s3, s2;
	s2 =	simm.s32 $0x0  }
0x9: {  	s12 =	simm.s32 $0x6880;
	s13 =	simm.s32 $0x7080;
	[smem:$0x7FF] =	sst s2  }
0xa: {  	s14 =	simm.s32 $0x7880;
	_ =	strace $0x8000004A;
	[dreg:$0x5] =	wrdreg s18  }
0xb: {  	s15 =	simm.s32 $0x8080;
	s16 =	simm.s32 $0x8880;
	[dreg:$0x6] =	wrdreg s19  }
0xc: {  	s17 =	simm.s32 $0x9080;
	s28 =	simm.s32 $0xE080;
	[dreg:$0x7] =	wrdreg s20  }
0xd: {  	s29 =	simm.s32 $0xE880;
	s30 =	simm.s32 $0xF080;
	[dreg:$0x8] =	wrdreg s22  }
0xe: {  	s31 =	simm.s32 $0xF880;
	s1 =	ssub.s32 $0x2, s1;
	[dreg:$0x9] =	wrdreg s23  }
0xf: {  	s21 =	sshrl.u32 s1, $0x1;
	s5 =	sshrl.u32 s3, $0x3;
	[dreg:$0xa] =	wrdreg s7  }
0x10: {  	s3 =	sshll.u32 s3, $0x7;
	s1 =	ssub.s32 s1, s21;
	[dreg:$0xb] =	wrdreg s24  }
0x11: {  	s21 =	simm.s32 $0xB080;
	s5 =	sadd.s32 s5, s6;
	[dreg:$0xc] =	wrdreg s8  }
0x12: {  	s3 =	sadd.s32 s4, s3;
	s4 =	sadd.s32 $0x79500, s6;
	[dreg:$0xd] =	wrdreg s25  }
0x13: {  	s7 =	smax.u32 s1, $0x1;
	s8 =	simm.s32 $0x2;
	[dreg:$0xe] =	wrdreg s26  }
0x14: {  	s18 =	simm.s32 $0x9880;
	s19 =	simm.s32 $0xA080;
	s20 =	simm.s32 $0xA880  }
0x15: {  	s22 =	simm.s32 $0xB880;
	s23 =	simm.s32 $0xC080;
	s24 =	simm.s32 $0xC880  }
0x16: {  	v2 =	vlaneseq.u32;
	s25 =	simm.s32 $0xD080;
	s26 =	simm.s32 $0xD880;
	s1 =	simm.s32 $0x1  }
0x17: {  	vm0 =	vmmov $0xffff;
	v1 =	vshrl.u32 v2, $0x3;
	s5 =	sadd.s32 $0x1200, s5;
	[dreg:$0x4] =	wrdreg s3;
	s3 =	sadd.s32 $0x79400, s6  }
0x18: {  	v0 =	vand.u32 $0x7, v2;
	v2 =	vor.u32 $0x8, v2;
	v1 =	vmul.u32 $0x8, v1;
	[dreg:$0x3] =	wrdreg s5;
	s5 =	sadd.s32 $0x79600, s6;
	s6 =	sadd.s32 $0x79700, s6  }
.LBB2_1:
0x19: {  	s0 =	rddreg [dreg:$0x3]  }
0x1a: {  	[tilespmem:s2], [sflag:$0x2] =	stream.linear.gather [hbm4b:s0+s2], $0x40, $0x38;
	[tilespmem:$0x10080] =	vst v63  }
0x1b: {  	_ =	swait.ge [sflag:s8], $0x40  }
0x1c: {  	[sflag:s8] =	ssyncset.done $0x0  }
0x1d: {  	[sflag:s8] =	ssyncadd.s32 $0xFFFFFFC0  }
0x1e: {  	v3 =	vld [tilespmem:$0x0];
	_ =	sdelay $0x4  }
0x1f: {  	v4 =	vshll.u32 v3, $0x3  }
0x20: {  	v3 =	vand.u32 $0x7, v3;
	v4 =	vand.u32 $0xFFFFFFC0, v4  }
0x21: {  	v3 =	vor.u32 v3, v4  }
0x22: {  	v4 =	vperm.xlane v3, v0;
	_ =	sdelay $0x1  }
0x23: {  	v4 =	vadd.s32 v1, v4;
	_ =	sdelay $0x4  }
0x24: {  	[tilespmem:s9], [sflag:$0x1] =	stream.indirect_vreg.gather [hbm4b:s3+s2], $0x80, v4, vm0, $0xb8;
	[tilespmem:$0x10080] =	vst v63  }
0x25: {  	s0 =	rddreg [dreg:$0x5];
	v3 =	vperm.xlane v3, v2  }
0x26: {  	[tilespmem:s0], [sflag:$0x1] =	stream.indirect_vreg.gather [hbm4b:s4+s2], $0x80, v4, vm0, $0xb8;
	[tilespmem:$0x10080] =	vst v63  }
0x27: {  	s10 =	rddreg [dreg:$0x6];
	v3 =	vadd.s32 v1, v3  }
0x28: {  	[tilespmem:s10], [sflag:$0x1] =	stream.indirect_vreg.gather [hbm4b:s5+s2], $0x80, v4, vm0, $0xb8;
	[tilespmem:$0x10080] =	vst v63  }
0x29: {  	s0 =	rddreg [dreg:$0x7]  }
0x2a: {  	[tilespmem:s0], [sflag:$0x1] =	stream.indirect_vreg.gather [hbm4b:s6+s2], $0x80, v4, vm0, $0xb8;
	[tilespmem:$0x10080] =	vst v63  }
0x2b: {  	s10 =	rddreg [dreg:$0x8]  }
0x2c: {  	[tilespmem:s10], [sflag:$0x1] =	stream.indirect_vreg.gather [hbm4b:s3+s2], $0x80, v3, vm0, $0xb8;
	[tilespmem:$0x10080] =	vst v63  }
0x2d: {  	s0 =	rddreg [dreg:$0x9]  }
0x2e: {  	[tilespmem:s0], [sflag:$0x1] =	stream.indirect_vreg.gather [hbm4b:s4+s2], $0x80, v3, vm0, $0xb8;
	[tilespmem:$0x10080] =	vst v63  }
0x2f: {  	s10 =	rddreg [dreg:$0xa]  }
0x30: {  	[tilespmem:s10], [sflag:$0x1] =	stream.indirect_vreg.gather [hbm4b:s5+s2], $0x80, v3, vm0, $0xb8;
	[tilespmem:$0x10080] =	vst v63  }
0x31: {  	s0 =	rddreg [dreg:$0xb]  }
0x32: {  	[tilespmem:s0], [sflag:$0x1] =	stream.indirect_vreg.gather [hbm4b:s6+s2], $0x80, v3, vm0, $0xb8;
	[tilespmem:$0x10080] =	vst v63  }
0x33: {  	v3 =	vld [tilespmem:$0x10];
	_ =	sdelay $0x4  }
0x34: {  	v61 =	vshll.u32 v3, $0x3  }
0x35: {  	v3 =	vand.u32 $0x7, v3;
	v4 =	vand.u32 $0xFFFFFFC0, v61  }
0x36: {  	v3 =	vor.u32 v3, v4  }
0x37: {  	v4 =	vperm.xlane v3, v0;
	_ =	sdelay $0x1  }
0x38: {  	v4 =	vadd.s32 v1, v4;
	_ =	sdelay $0x3  }
0x39: {  	s0 =	rddreg [dreg:$0xc]  }
0x3a: {  	[tilespmem:s0], [sflag:$0x1] =	stream.indirect_vreg.gather [hbm4b:s3+s2], $0x80, v4, vm0, $0xb8;
	[tilespmem:$0x10080] =	vst v63  }
0x3b: {  	s10 =	rddreg [dreg:$0xd];
	v3 =	vperm.xlane v3, v2  }
0x3c: {  	[tilespmem:s10], [sflag:$0x1] =	stream.indirect_vreg.gather [hbm4b:s4+s2], $0x80, v4, vm0, $0xb8;
	[tilespmem:$0x10080] =	vst v63  }
0x3d: {  	v3 =	vadd.s32 v1, v3;
	s0 =	rddreg [dreg:$0xe]  }
0x3e: {  	[tilespmem:s0], [sflag:$0x1] =	stream.indirect_vreg.gather [hbm4b:s5+s2], $0x80, v4, vm0, $0xb8;
	[tilespmem:$0x10080] =	vst v63  }
0x3f: {  	s10 =	simm.s32 $0x5880  }
0x40: {  	[tilespmem:s10], [sflag:$0x1] =	stream.indirect_vreg.gather [hbm4b:s6+s2], $0x80, v4, vm0, $0xb8;
	[tilespmem:$0x10080] =	vst v63  }
0x41: {  	_ = 	snop  }
0x42: {  	[tilespmem:s11], [sflag:$0x1] =	stream.indirect_vreg.gather [hbm4b:s3+s2], $0x80, v3, vm0, $0xb8;
	[tilespmem:$0x10080] =	vst v63  }
0x43: {  	_ = 	snop  }
0x44: {  	[tilespmem:s12], [sflag:$0x1] =	stream.indirect_vreg.gather [hbm4b:s4+s2], $0x80, v3, vm0, $0xb8;
	[tilespmem:$0x10080] =	vst v63  }
0x45: {  	_ = 	snop  }
0x46: {  	[tilespmem:s13], [sflag:$0x1] =	stream.indirect_vreg.gather [hbm4b:s5+s2], $0x80, v3, vm0, $0xb8;
	[tilespmem:$0x10080] =	vst v63  }
0x47: {  	_ = 	snop  }
0x48: {  	[tilespmem:s14], [sflag:$0x1] =	stream.indirect_vreg.gather [hbm4b:s6+s2], $0x80, v3, vm0, $0xb8;
	[tilespmem:$0x10080] =	vst v63  }
0x49: {  	v3 =	vld [tilespmem:$0x20];
	_ =	sdelay $0x4  }
0x4a: {  	v62 =	vshll.u32 v3, $0x3  }
0x4b: {  	v3 =	vand.u32 $0x7, v3;
	v4 =	vand.u32 $0xFFFFFFC0, v62  }
0x4c: {  	v3 =	vor.u32 v3, v4  }
0x4d: {  	v4 =	vperm.xlane v3, v0;
	_ =	sdelay $0x1  }
0x4e: {  	v4 =	vadd.s32 v1, v4;
	_ =	sdelay $0x4  }
0x4f: {  	[tilespmem:s15], [sflag:$0x1] =	stream.indirect_vreg.gather [hbm4b:s3+s2], $0x80, v4, vm0, $0xb8;
	[tilespmem:$0x10080] =	vst v63  }
0x50: {  	v3 =	vperm.xlane v3, v2  }
0x51: {  	[tilespmem:s16], [sflag:$0x1] =	stream.indirect_vreg.gather [hbm4b:s4+s2], $0x80, v4, vm0, $0xb8;
	[tilespmem:$0x10080] =	vst v63  }
0x52: {  	v3 =	vadd.s32 v1, v3  }
0x53: {  	[tilespmem:s17], [sflag:$0x1] =	stream.indirect_vreg.gather [hbm4b:s5+s2], $0x80, v4, vm0, $0xb8;
	[tilespmem:$0x10080] =	vst v63  }
0x54: {  	_ = 	snop  }
0x55: {  	[tilespmem:s18], [sflag:$0x1] =	stream.indirect_vreg.gather [hbm4b:s6+s2], $0x80, v4, vm0, $0xb8;
	[tilespmem:$0x10080] =	vst v63  }
0x56: {  	_ = 	snop  }
0x57: {  	[tilespmem:s19], [sflag:$0x1] =	stream.indirect_vreg.gather [hbm4b:s3+s2], $0x80, v3, vm0, $0xb8;
	[tilespmem:$0x10080] =	vst v63  }
0x58: {  	_ = 	snop  }
0x59: {  	[tilespmem:s20], [sflag:$0x1] =	stream.indirect_vreg.gather [hbm4b:s4+s2], $0x80, v3, vm0, $0xb8;
	[tilespmem:$0x10080] =	vst v63  }
0x5a: {  	_ = 	snop  }
0x5b: {  	[tilespmem:s21], [sflag:$0x1] =	stream.indirect_vreg.gather [hbm4b:s5+s2], $0x80, v3, vm0, $0xb8;
	[tilespmem:$0x10080] =	vst v63  }
0x5c: {  	_ = 	snop  }
0x5d: {  	[tilespmem:s22], [sflag:$0x1] =	stream.indirect_vreg.gather [hbm4b:s6+s2], $0x80, v3, vm0, $0xb8;
	[tilespmem:$0x10080] =	vst v63  }
0x5e: {  	v3 =	vld [tilespmem:$0x30];
	_ =	sdelay $0x4  }
0x5f: {  	v63 =	vshll.u32 v3, $0x3  }
0x60: {  	v3 =	vand.u32 $0x7, v3;
	v4 =	vand.u32 $0xFFFFFFC0, v63  }
0x61: {  	v3 =	vor.u32 v3, v4  }
0x62: {  	v4 =	vperm.xlane v3, v0;
	_ =	sdelay $0x1  }
0x63: {  	v4 =	vadd.s32 v1, v4;
	_ =	sdelay $0x4  }
0x64: {  	[tilespmem:s23], [sflag:$0x1] =	stream.indirect_vreg.gather [hbm4b:s3+s2], $0x80, v4, vm0, $0xb8;
	[tilespmem:$0x10080] =	vst v63  }
0x65: {  	v3 =	vperm.xlane v3, v2  }
0x66: {  	[tilespmem:s24], [sflag:$0x1] =	stream.indirect_vreg.gather [hbm4b:s4+s2], $0x80, v4, vm0, $0xb8;
	[tilespmem:$0x10080] =	vst v63  }
0x67: {  	v3 =	vadd.s32 v1, v3  }
0x68: {  	[tilespmem:s25], [sflag:$0x1] =	stream.indirect_vreg.gather [hbm4b:s5+s2], $0x80, v4, vm0, $0xb8;
	[tilespmem:$0x10080] =	vst v63  }
0x69: {  	_ = 	snop  }
0x6a: {  	[tilespmem:s26], [sflag:$0x1] =	stream.indirect_vreg.gather [hbm4b:s6+s2], $0x80, v4, vm0, $0xb8;
	[tilespmem:$0x10080] =	vst v63  }
0x6b: {  	_ = 	snop  }
0x6c: {  	[tilespmem:s28], [sflag:$0x1] =	stream.indirect_vreg.gather [hbm4b:s3+s2], $0x80, v3, vm0, $0xb8;
	[tilespmem:$0x10080] =	vst v63  }
0x6d: {  	_ = 	snop  }
0x6e: {  	[tilespmem:s29], [sflag:$0x1] =	stream.indirect_vreg.gather [hbm4b:s4+s2], $0x80, v3, vm0, $0xb8;
	[tilespmem:$0x10080] =	vst v63  }
0x6f: {  	_ = 	snop  }
0x70: {  	[tilespmem:s30], [sflag:$0x1] =	stream.indirect_vreg.gather [hbm4b:s5+s2], $0x80, v3, vm0, $0xb8;
	[tilespmem:$0x10080] =	vst v63  }
0x71: {  	_ = 	snop  }
0x72: {  	[tilespmem:s31], [sflag:$0x1] =	stream.indirect_vreg.gather [hbm4b:s6+s2], $0x80, v3, vm0, $0xb8;
	[tilespmem:$0x10080] =	vst v63  }
0x73: {  	_ =	swait.ge [sflag:s1], $0x10000  }
0x74: {  	p0 =	sne.s32 s7, $0x1;
	[sflag:s1] =	ssyncset.done $0x0  }
.Ltmp0:
0x75: {  	s10 =	rddreg [dreg:$0x4];
	[sflag:s1] =	ssyncadd.s32 $0xFFFF0000;
	(pc) =	sbr.rel @p0 .LBB2_1-.Ltmp0, $4  }
0x76: {  	[hbm4b:s10+s2] =	stream.linear.scatter [tilespmem:s9], [sflag:$0x2], $0x10000, $0x38;
	[tilespmem:$0x10080] =	vst v63  }
0x77: {  	_ =	swait.ge [sflag:s8], $0x10000  }
0x78: {  	[sflag:s8] =	ssyncset.done $0x0  }
0x79: {  	s7 =	sadd.s32 $0xFFFFFFFF, s7;
	[sflag:s8] =	ssyncadd.s32 $0xFFFF0000  }
0x7a: {  	_ =	sfence.sel $0x180000  }
0x7b: {  	[bflag:$0x0] =	sbarrier.arrive $0xFFFF  }
0x7c: {  	_ =	strace $0x9000004A  }
0x7d: {  	s0 =	stileid.u32;
	[bflag:$0x2] =	sbarrier.arrive $0xFFFF  }
0x7e: {  	p0 =	sne.s32 s0, $0x0;
	s0 =	rddreg [dreg:$0x2]  }
0x7f: {  	s0 =	sadd.s32 @!p0 $0x100000, s0  }
0x80: {  	[sflag:s0] =	ssyncadd.tile.s32 @!p0 $0x1;
	_ =	shalt  }
.Lfunc_end2:
_tile_overlayer_lowered:
.L_overlay_start_2:
0x81: {  	(tag) =	ssettag $0x2  }
0x82: {  	s0 =	rddreg [dreg:$0x0];
	s2 =	stileid.u32  }
0x83: {  	s1 =	rddreg [dreg:$0x1];
	p0 =	sne.s32 s2, $0x0  }
0x84: {  	s3 =	rddreg [dreg:$0x2];
	[bflag:$0x3] =	sbarrier.arrive $0xFFFF;
	s2 =	simm.s32 @!p0 $0x1C02  }
0x85: {  	[timem:s3], [sflag:s2] =	dma.local @!p0 [hbm:s0], s1  }
0x86: {  	s0 =	simm.s32 @!p0 $0x2  }
0x87: {  	_ =	swait.ge @!p0 [sflag:s0], s1  }
0x88: {  	s1 =	ssub.s32 @!p0 $0x0, s1;
	[sflag:s0] =	ssyncset.done @!p0 $0x0  }
0x89: {  	[sflag:s0] =	ssyncadd.s32 @!p0 s1  }
0x8a: {  	[bflag:$0x3] =	sbarrier.arrive $0xFFFF  }
0x8b: {  	_ =	shalt  }

// kernel: kernel.7.cloned.1.call-start
scs
__scs_entry_jumppad:
0x0: {  	(pc) =	sbr.rel $0x88, $3  }
0x1: {  	(tag) =	ssettag $0x0;
	lr =	simm.s32 $0x1  }
0x2: {  	[smem:$0x3F9A] =	sst lr;
	_ =	strace $0xD0000000  }
0x3: {  	_ = 	snop  }
0x4: {  	_ = 	snop  }
0x5: {  	_ = 	snop  }
0x6: {  	_ = 	snop  }
0x7: {  	_ = 	snop  }
__scs_overlays_trampoline_lowered:
0x8: {  	[smem:$0x3FA9] =	sst s0  }
0x9: {  	[smem:$0x3FAA] =	sst s1  }
0xa: {  	[smem:$0x3FAB] =	sst s2  }
0xb: {  	[smem:$0x3FAC] =	sst s3  }
0xc: {  	[smem:$0x3FAD] =	sst s4  }
0xd: {  	[smem:$0x3FAE] =	sst s5  }
0xe: {  	[smem:$0x3FAF] =	sst s6  }
0xf: {  	[smem:$0x3FB0] =	sst s7  }
0x10: {  	[smem:$0x3FB1] =	sst s8  }
0x11: {  	[smem:$0x3FB2] =	sst s9;
	s0 =	simm.s32 @!p0 $0x0  }
0x12: {  	s1 =	sld [smem:$0x3F98];
	s0 =	simm.s32 @p0 $0x1  }
0x13: {  	[smem:$0x3FB3] =	sst s0;
	s0 =	simm.s32 @!p1 $0x0  }
0x14: {  	s2 =	sld [smem:$0x3F97];
	s0 =	simm.s32 @p1 $0x1  }
0x15: {  	[smem:$0x3FB4] =	sst s0;
	s0 =	simm.s32 @!p2 $0x0  }
0x16: {  	s3 =	sld [smem:$0x3FDB];
	s0 =	simm.s32 @p2 $0x1  }
0x17: {  	s4 =	simm.s32 $0x1BF5;
	[smem:$0x3FB6] =	sst s0  }
0x18: {  	s0 =	sld [smem:$0x3F99];
	_ =	swait.ge [sflag:s4], $0x0  }
0x19: {  	s7 =	sld [smem:$0x3F9A]  }
0x1a: {  	s8 =	sadd.s32 $0xFFFFE003, lr  }
0x1b: {  	s9 =	sadd.s32 $0xFFFFFEF7, lr;
	s5 =	simm.s32 $0xFFFFFFFF;
	p2 =	slt.u32 s8, $0xFFFFF086  }
0x1c: {  	p1 =	slt.u32 s9, $0xF7A;
	s5 =	simm.s32 @!p2 $0x0  }
0x1d: {  	s5 =	simm.s32 @p1 $0x1;
	p0 =	seq.s32 s7, s2  }
0x1e: {  	s7 =	smul.u32 @!p0 $0xF7A, s2;
	p2 =	seq.s32 @!p0 s5, $0x0  }
0x1f: {  	s9 =	smul.u32 $0xF7A, s1;
	s8 =	simm.s32 @!p0 $0x1BF5;
	p2 =	por !p2, p0  }
0x20: {  	[sflag:s8] =	ssyncset.s32 @!p0 $0xFFFFF086;
	s6 =	sadd.s32 @!p0 s3, s7;
	s7 =	simm.s32 @!p0 $0x108  }
0x21: {  	s3 =	sadd.s32 s3, s9;
	s6 =	sadd.s32 @!p0 $0x88, s6;
	s7 =	simm.s32 @p2 $0x1082  }
0x22: {  	[simem:s7], [sflag:s8] =	dma.local @!p0 [hbm:s6], $0xF7A  }
0x23: {  	s9 =	sor.u32 $0xD0000000, s2;
	s6 =	simm.s32 $0x108;
	_ =	swait.ge @!p0 [sflag:s8], $0x0  }
0x24: {  	s3 =	sadd.s32 $0x88, s3;
	s6 =	simm.s32 @!p1 $0x1082;
	[sflag:s4] =	ssyncset.s32 $0xFFFFF086  }
0x25: {  	[simem:s6], [sflag:s4] =	dma.local [hbm:s3], $0xF7A  }
0x26: {  	[smem:$0x3F9A] =	sst s1;
	(tag) =	ssettag s2;
	_ =	strace s9  }
0x27: {  	s1 =	sld [smem:$0x3FAA]  }
0x28: {  	s2 =	sld [smem:$0x3FAB]  }
0x29: {  	s4 =	sld [smem:$0x3FAD]  }
0x2a: {  	p0 =	seq.s32 s5, $0x0;
	s5 =	sld [smem:$0x3FAE]  }
0x2b: {  	s6 =	sld [smem:$0x3FAF]  }
0x2c: {  	s7 =	sld [smem:$0x3FB0]  }
0x2d: {  	s3 =	simm.s32 $0x108;
	s8 =	sld [smem:$0x3FB1]  }
0x2e: {  	s3 =	simm.s32 @!p0 $0x1082;
	s9 =	sld [smem:$0x3FB2]  }
0x2f: {  	lr =	sadd.s32 s0, s3;
	s0 =	sld [smem:$0x3FA9]  }
0x30: {  	s3 =	sld [smem:$0x3FAC]  }
0x31: {  	[smem:$0x3FB5] =	sst s10  }
0x32: {  	s10 =	sld [smem:$0x3FB3];
	_ =	sdelay $0x3  }
0x33: {  	p0 =	seq.s32 s10, $0x1;
	s10 =	sld [smem:$0x3FB5];
	_ =	sdelay $0x3  }
0x34: {  	[smem:$0x3FB5] =	sst s10  }
0x35: {  	s10 =	sld [smem:$0x3FB4];
	_ =	sdelay $0x3  }
0x36: {  	p1 =	seq.s32 s10, $0x1;
	s10 =	sld [smem:$0x3FB5];
	_ =	sdelay $0x3  }
0x37: {  	[smem:$0x3FB5] =	sst s10  }
0x38: {  	s10 =	sld [smem:$0x3FB6]  }
0x39: {  	_ = 	snop;
	(pc) =	sbr.ind lr, $3  }
0x3a: {  	_ = 	snop  }
0x3b: {  	_ = 	snop  }
0x3c: {  	p2 =	seq.s32 s10, $0x1;
	s10 =	sld [smem:$0x3FB5]  }
0x3d: {  	_ =	shalt  }
0x3e: {  	_ =	shalt  }
0x3f: {  	_ =	shalt  }
0x40: {  	_ =	shalt  }
0x41: {  	_ =	shalt  }
0x42: {  	_ =	shalt  }
0x43: {  	_ =	shalt  }
0x44: {  	_ =	shalt  }
0x45: {  	_ =	shalt  }
0x46: {  	_ =	shalt  }
0x47: {  	_ =	shalt  }
0x48: {  	_ =	shalt  }
0x49: {  	_ =	shalt  }
0x4a: {  	_ =	shalt  }
0x4b: {  	_ =	shalt  }
0x4c: {  	_ =	shalt  }
0x4d: {  	_ =	shalt  }
0x4e: {  	_ =	shalt  }
0x4f: {  	_ =	shalt  }
0x50: {  	_ =	shalt  }
0x51: {  	_ =	shalt  }
0x52: {  	_ =	shalt  }
0x53: {  	_ =	shalt  }
0x54: {  	_ =	shalt  }
0x55: {  	_ =	shalt  }
0x56: {  	_ =	shalt  }
0x57: {  	_ =	shalt  }
0x58: {  	_ =	shalt  }
0x59: {  	_ =	shalt  }
0x5a: {  	_ =	shalt  }
0x5b: {  	_ =	shalt  }
0x5c: {  	_ =	shalt  }
0x5d: {  	_ =	shalt  }
0x5e: {  	_ =	shalt  }
0x5f: {  	_ =	shalt  }
0x60: {  	_ =	shalt  }
0x61: {  	_ =	shalt  }
0x62: {  	_ =	shalt  }
0x63: {  	_ =	shalt  }
0x64: {  	_ =	shalt  }
0x65: {  	_ =	shalt  }
0x66: {  	_ =	shalt  }
0x67: {  	_ =	shalt  }
0x68: {  	_ =	shalt  }
0x69: {  	_ =	shalt  }
0x6a: {  	_ =	shalt  }
0x6b: {  	_ =	shalt  }
0x6c: {  	_ =	shalt  }
0x6d: {  	_ =	shalt  }
0x6e: {  	_ =	shalt  }
0x6f: {  	_ =	shalt  }
0x70: {  	_ =	shalt  }
0x71: {  	_ =	shalt  }
0x72: {  	_ =	shalt  }
0x73: {  	_ =	shalt  }
0x74: {  	_ =	shalt  }
0x75: {  	_ =	shalt  }
0x76: {  	_ =	shalt  }
0x77: {  	_ =	shalt  }
0x78: {  	_ =	shalt  }
0x79: {  	_ =	shalt  }
0x7a: {  	_ =	shalt  }
0x7b: {  	_ =	shalt  }
0x7c: {  	_ =	shalt  }
0x7d: {  	_ =	shalt  }
0x7e: {  	_ =	shalt  }
0x7f: {  	_ =	shalt  }
0x80: {  	_ =	shalt  }
0x81: {  	_ =	shalt  }
0x82: {  	_ =	shalt  }
0x83: {  	_ =	shalt  }
0x84: {  	_ =	shalt  }
0x85: {  	_ =	shalt  }
0x86: {  	_ =	shalt  }
0x87: {  	_ =	shalt  }
.Lfunc_end0:
.L_simem_size_0:
called_computation_lowered:
.L_overlay_start_0:
0x88: {  	s2 =	sld [smem:$0x3FD9]  }
0x89: {  	s3 =	sld [smem:$0x3FFE];
	_ =	sdelay $0x1  }
0x8a: {  	s1 =	srdreg.scid  }
0x8b: {  	s0 =	sand.u32 $0x1, s1  }
0x8c: {  	s17 =	sshll.u32 s0, $0xA;
	s2 =	sadd.s32 s3, s2  }
0x8d: {  	s2 =	sadd.s32 s2, s17  }
0x8e: {  	[smem:$0x3FC1] =	sst s2  }
0x8f: {  	_ = 	snop  }
0x90: {  	s2 =	sld [smem:$0x3FC9];
	(tm) =	ssettm $0x1  }
0x91: {  	s18 =	sld [smem:$0x3FFB];
	_ =	sdelay $0x3  }
0x92: {  	_ =	strace s18  }
0x93: {  	s3 =	sld [smem:$0x3FFC];
	_ =	sdelay $0x3  }
0x94: {  	_ =	strace s3  }
0x95: {  	s3 =	sld [smem:$0x3FFD];
	_ =	sdelay $0x3  }
0x96: {  	_ =	strace s3  }
0x97: {  	_ =	strace $0x8FFFFFFF  }
0x98: {  	s19 =	sld [smem:$0x3FDB];
	_ =	sdelay $0x1  }
0x99: {  	s4 =	simm.s32 $_scs_section_size  }
0x9a: {  	s5 =	simm.s32 $_size__tile_overlayer_lowered;
	s6 =	simm.s32 $_tile_overlayer_lowered  }
0x9b: {  	s22 =	simm.s32 $0x1BFF;
	s21 =	sshll.u32 s6, $0x1;
	s3 =	sadd.s32 s4, s19  }
0x9c: {  	s7 =	simm.s32 $0x0;
	s20 =	sshll.u32 s5, $0x1;
	s5 =	sadd.s32 s21, s3  }
0x9d: {  	[timem:s7], [sflag:s22] =	dma.local [hbm:s5], s20  }
0x9e: {  	_ =	swait.ge [sflag:s22], s20  }
0x9f: {  	s4 =	ssub.s32 $0x0, s20;
	[sflag:s22] =	ssyncset.done $0x0  }
0xa0: {  	[sflag:s22] =	ssyncadd.s32 s4;
	_ =	sdelay $0x1  }
0xa1: {  	s23 =	simm.s32 $0x1B8B  }
0xa2: {  	_ =	swait.ge [sflag:s23], $0x1  }
0xa3: {  	[sflag:s23] =	ssyncset.done $0x0  }
0xa4: {  	s25 =	simm.s32 $0x1B8E;
	s24 =	sld [smem:$0x3FFE];
	[sflag:s23] =	ssyncadd.s32 $0xFFFFFFFF  }
0xa5: {  	s26 =	simm.s32 $execute0_lowered;
	[smem:$0x3FD2] =	sst s25  }
0xa6: {  	s5 =	sshll.u32 s26, $0x1;
	_ =	strace $0x80000046;
	[dreg:$0x1] =	wrdreg $0xFFFFFFFF  }
0xa7: {  	s28 =	simm.s32 $_size_execute0_lowered;
	s3 =	sadd.s32 s3, s5;
	[dreg:$0x0] =	wrdreg $0x0  }
0xa8: {  	s5 =	sshll.u32 s28, $0x1;
	[dreg:$0x2] =	wrdreg s3  }
0xa9: {  	[dreg:$0x3] =	wrdreg s5  }
0xaa: {  	[dreg:$0x4] =	wrdreg $0xC0  }
0xab: {  	_ =	task [dreg:s7], $0x5FFFF  }
0xac: {  	[dreg:$0x1] =	wrdreg $0xFFFFFFFF  }
0xad: {  	[dreg:$0x0] =	wrdreg $0x60  }
0xae: {  	[dreg:$0x2] =	wrdreg s2  }
0xaf: {  	[dreg:$0x3] =	wrdreg s24  }
0xb0: {  	[dreg:$0x4] =	wrdreg $0x9  }
0xb1: {  	_ =	task.clear_ibuf [dreg:s7], $0x5FFFF;
	_ =	strace $0x90000046  }
0xb2: {  	s29 =	simm.s32 $0x9;
	_ =	strace $0x80000048  }
0xb3: {  	_ =	swait.ge [sflag:s29], $0x1  }
0xb4: {  	[sflag:s29] =	ssyncadd.s32 $0xFFFFFFFF  }
0xb5: {  	_ =	strace $0x90000048  }
0xb6: {  	_ =	sfence  }
0xb7: {  	s30 =	sld [smem:$0x0];
	_ =	sdelay $0x2  }
0xb8: {  	s31 =	sshll.u32 s1, $0xD;
	s1 =	sshrl.u32 s1, $0x2  }
0xb9: {  	s3 =	sand.u32 $0x4000, s31;
	s1 =	sadd.s32 s1, s30  }
0xba: {  	s0 =	sor.u32 s3, s0;
	s1 =	sshll.u32 s1, $0x11  }
0xbb: {  	s0 =	sor.u32 s1, s0  }
0xbc: {  	s0 =	sadd.s32 $0x8F2B, s0  }
0xbd: {  	[sflag:s0] =	ssyncadd.remote.s32 $0x1  }
0xbe: {  	_ =	sfence.sel $0xFFFF  }
0xbf: {  	[dreg:$0x0] =	wrdreg $0xFFFFFFFF;
	(pc) =	sbr.abs _section_cstart, $3  }
0xc0: {  	[dreg:$0x1] =	wrdreg $0xFFFFFFFF  }
0xc1: {  	_ =	task.clear_ibuf [dreg:s7], $0x2FFFF;
	_ =	strace $0x9FFFFFFF  }
0xc2: {  	(tm) =	ssettm $0x7FFFFFFF  }
0xc3: {  	_ =	shalt  }
tec
execute0_lowered:
.L_overlay_start_1:
0x0: {  	(tag) =	ssettag $0x1  }
0x1: {  	s1 =	srdreg.scid  }
0x2: {  	s0 =	stileid.u32;
	s3 =	rddreg [dreg:$0x0]  }
0x3: {  	s6 =	rddreg [dreg:$0x1];
	s18 =	simm.s32 $0x880;
	s19 =	simm.s32 $0x1080  }
0x4: {  	s20 =	simm.s32 $0x1880;
	s22 =	simm.s32 $0x2080;
	s23 =	simm.s32 $0x2880  }
0x5: {  	s7 =	simm.s32 $0x3080;
	s24 =	simm.s32 $0x3880;
	s8 =	simm.s32 $0x4080  }
0x6: {  	s25 =	simm.s32 $0x4880;
	s26 =	simm.s32 $0x5080;
	s1 =	sand.u32 $0x1, s1  }
0x7: {  	s9 =	simm.s32 $0x80;
	s2 =	sshll.u32 s0, $0x7;
	s4 =	sshll.u32 s1, $0x6  }
0x8: {  	s11 =	simm.s32 $0x6080;
	s4 =	sor.u32 s4, s2;
	s2 =	simm.s32 $0x0  }
0x9: {  	s12 =	simm.s32 $0x6880;
	s13 =	simm.s32 $0x7080;
	[smem:$0x7FF] =	sst s2  }
0xa: {  	s14 =	simm.s32 $0x7880;
	_ =	strace $0x80000047;
	[dreg:$0x5] =	wrdreg s18  }
0xb: {  	s15 =	simm.s32 $0x8080;
	s16 =	simm.s32 $0x8880;
	[dreg:$0x6] =	wrdreg s19  }
0xc: {  	s17 =	simm.s32 $0x9080;
	s28 =	simm.s32 $0xE080;
	[dreg:$0x7] =	wrdreg s20  }
0xd: {  	s29 =	simm.s32 $0xE880;
	s30 =	simm.s32 $0xF080;
	[dreg:$0x8] =	wrdreg s22  }
0xe: {  	s31 =	simm.s32 $0xF880;
	s1 =	ssub.s32 $0x2, s1;
	[dreg:$0x9] =	wrdreg s23  }
0xf: {  	s21 =	sshrl.u32 s1, $0x1;
	s5 =	sshrl.u32 s4, $0x3;
	[dreg:$0xa] =	wrdreg s7  }
0x10: {  	s4 =	sshll.u32 s4, $0x7;
	s1 =	ssub.s32 s1, s21;
	[dreg:$0xb] =	wrdreg s24  }
0x11: {  	s21 =	simm.s32 $0xB080;
	s5 =	sadd.s32 s5, s6;
	[dreg:$0xc] =	wrdreg s8  }
0x12: {  	s3 =	sadd.s32 s3, s4;
	s4 =	sadd.s32 $0x1500, s6;
	[dreg:$0xd] =	wrdreg s25  }
0x13: {  	s7 =	smax.u32 s1, $0x1;
	s8 =	simm.s32 $0x2;
	[dreg:$0xe] =	wrdreg s26  }
0x14: {  	s18 =	simm.s32 $0x9880;
	s19 =	simm.s32 $0xA080;
	s20 =	simm.s32 $0xA880  }
0x15: {  	s22 =	simm.s32 $0xB880;
	s23 =	simm.s32 $0xC080;
	s24 =	simm.s32 $0xC880  }
0x16: {  	v2 =	vlaneseq.u32;
	s25 =	simm.s32 $0xD080;
	s26 =	simm.s32 $0xD880;
	s1 =	simm.s32 $0x1  }
0x17: {  	vm0 =	vmmov $0xffff;
	v1 =	vshrl.u32 v2, $0x3;
	s5 =	sadd.s32 $0x1200, s5;
	[dreg:$0x4] =	wrdreg s3;
	s3 =	sadd.s32 $0x1400, s6  }
0x18: {  	v0 =	vand.u32 $0x7, v2;
	v2 =	vor.u32 $0x8, v2;
	v1 =	vmul.u32 $0x8, v1;
	[dreg:$0x3] =	wrdreg s5;
	s5 =	sadd.s32 $0x1600, s6;
	s6 =	sadd.s32 $0x1700, s6  }
.LBB2_1:
0x19: {  	s0 =	rddreg [dreg:$0x3]  }
0x1a: {  	[tilespmem:s2], [sflag:$0x2] =	stream.linear.gather [hbm4b:s0+s2], $0x40, $0x38;
	[tilespmem:$0x10080] =	vst v63  }
0x1b: {  	_ =	swait.ge [sflag:s8], $0x40  }
0x1c: {  	[sflag:s8] =	ssyncset.done $0x0  }
0x1d: {  	s10 =	rddreg [dreg:$0x4];
	[sflag:s8] =	ssyncadd.s32 $0xFFFFFFC0  }
0x1e: {  	[tilespmem:s9], [sflag:$0x2] =	stream.linear.gather [hbm4b:s10+s2], $0x10000, $0x38;
	[tilespmem:$0x10080] =	vst v63  }
0x1f: {  	_ =	swait.ge [sflag:s8], $0x10000  }
0x20: {  	[sflag:s8] =	ssyncset.done $0x0  }
0x21: {  	[sflag:s8] =	ssyncadd.s32 $0xFFFF0000  }
0x22: {  	v3 =	vld [tilespmem:$0x0];
	_ =	sdelay $0x4  }
0x23: {  	v4 =	vshll.u32 v3, $0x3  }
0x24: {  	v3 =	vand.u32 $0x7, v3;
	v4 =	vand.u32 $0xFFFFFFC0, v4  }
0x25: {  	v3 =	vor.u32 v3, v4  }
0x26: {  	v4 =	vperm.xlane v3, v0;
	_ =	sdelay $0x1  }
0x27: {  	v4 =	vadd.s32 v1, v4;
	_ =	sdelay $0x4  }
0x28: {  	[hbm4b:s3+s2] =	stream.indirect_vreg.scatter [tilespmem:s9], [sflag:$0x1], $0x80, v4, vm0, $0xb8;
	[tilespmem:$0x10080] =	vst v63  }
0x29: {  	s0 =	rddreg [dreg:$0x5];
	v3 =	vperm.xlane v3, v2  }
0x2a: {  	[hbm4b:s4+s2] =	stream.indirect_vreg.scatter [tilespmem:s0], [sflag:$0x1], $0x80, v4, vm0, $0xb8;
	[tilespmem:$0x10080] =	vst v63  }
0x2b: {  	s10 =	rddreg [dreg:$0x6];
	v3 =	vadd.s32 v1, v3  }
0x2c: {  	[hbm4b:s5+s2] =	stream.indirect_vreg.scatter [tilespmem:s10], [sflag:$0x1], $0x80, v4, vm0, $0xb8;
	[tilespmem:$0x10080] =	vst v63  }
0x2d: {  	s0 =	rddreg [dreg:$0x7]  }
0x2e: {  	[hbm4b:s6+s2] =	stream.indirect_vreg.scatter [tilespmem:s0], [sflag:$0x1], $0x80, v4, vm0, $0xb8;
	[tilespmem:$0x10080] =	vst v63  }
0x2f: {  	s10 =	rddreg [dreg:$0x8]  }
0x30: {  	[hbm4b:s3+s2] =	stream.indirect_vreg.scatter [tilespmem:s10], [sflag:$0x1], $0x80, v3, vm0, $0xb8;
	[tilespmem:$0x10080] =	vst v63  }
0x31: {  	s0 =	rddreg [dreg:$0x9]  }
0x32: {  	[hbm4b:s4+s2] =	stream.indirect_vreg.scatter [tilespmem:s0], [sflag:$0x1], $0x80, v3, vm0, $0xb8;
	[tilespmem:$0x10080] =	vst v63  }
0x33: {  	s10 =	rddreg [dreg:$0xa]  }
0x34: {  	[hbm4b:s5+s2] =	stream.indirect_vreg.scatter [tilespmem:s10], [sflag:$0x1], $0x80, v3, vm0, $0xb8;
	[tilespmem:$0x10080] =	vst v63  }
0x35: {  	s0 =	rddreg [dreg:$0xb]  }
0x36: {  	[hbm4b:s6+s2] =	stream.indirect_vreg.scatter [tilespmem:s0], [sflag:$0x1], $0x80, v3, vm0, $0xb8;
	[tilespmem:$0x10080] =	vst v63  }
0x37: {  	v3 =	vld [tilespmem:$0x10];
	_ =	sdelay $0x4  }
0x38: {  	v61 =	vshll.u32 v3, $0x3  }
0x39: {  	v3 =	vand.u32 $0x7, v3;
	v4 =	vand.u32 $0xFFFFFFC0, v61  }
0x3a: {  	v3 =	vor.u32 v3, v4  }
0x3b: {  	v4 =	vperm.xlane v3, v0;
	_ =	sdelay $0x1  }
0x3c: {  	v4 =	vadd.s32 v1, v4;
	_ =	sdelay $0x3  }
0x3d: {  	s0 =	rddreg [dreg:$0xc]  }
0x3e: {  	[hbm4b:s3+s2] =	stream.indirect_vreg.scatter [tilespmem:s0], [sflag:$0x1], $0x80, v4, vm0, $0xb8;
	[tilespmem:$0x10080] =	vst v63  }
0x3f: {  	s10 =	rddreg [dreg:$0xd];
	v3 =	vperm.xlane v3, v2  }
0x40: {  	[hbm4b:s4+s2] =	stream.indirect_vreg.scatter [tilespmem:s10], [sflag:$0x1], $0x80, v4, vm0, $0xb8;
	[tilespmem:$0x10080] =	vst v63  }
0x41: {  	v3 =	vadd.s32 v1, v3;
	s0 =	rddreg [dreg:$0xe]  }
0x42: {  	[hbm4b:s5+s2] =	stream.indirect_vreg.scatter [tilespmem:s0], [sflag:$0x1], $0x80, v4, vm0, $0xb8;
	[tilespmem:$0x10080] =	vst v63  }
0x43: {  	s10 =	simm.s32 $0x5880  }
0x44: {  	[hbm4b:s6+s2] =	stream.indirect_vreg.scatter [tilespmem:s10], [sflag:$0x1], $0x80, v4, vm0, $0xb8;
	[tilespmem:$0x10080] =	vst v63  }
0x45: {  	_ = 	snop  }
0x46: {  	[hbm4b:s3+s2] =	stream.indirect_vreg.scatter [tilespmem:s11], [sflag:$0x1], $0x80, v3, vm0, $0xb8;
	[tilespmem:$0x10080] =	vst v63  }
0x47: {  	_ = 	snop  }
0x48: {  	[hbm4b:s4+s2] =	stream.indirect_vreg.scatter [tilespmem:s12], [sflag:$0x1], $0x80, v3, vm0, $0xb8;
	[tilespmem:$0x10080] =	vst v63  }
0x49: {  	_ = 	snop  }
0x4a: {  	[hbm4b:s5+s2] =	stream.indirect_vreg.scatter [tilespmem:s13], [sflag:$0x1], $0x80, v3, vm0, $0xb8;
	[tilespmem:$0x10080] =	vst v63  }
0x4b: {  	_ = 	snop  }
0x4c: {  	[hbm4b:s6+s2] =	stream.indirect_vreg.scatter [tilespmem:s14], [sflag:$0x1], $0x80, v3, vm0, $0xb8;
	[tilespmem:$0x10080] =	vst v63  }
0x4d: {  	v3 =	vld [tilespmem:$0x20];
	_ =	sdelay $0x4  }
0x4e: {  	v62 =	vshll.u32 v3, $0x3  }
0x4f: {  	v3 =	vand.u32 $0x7, v3;
	v4 =	vand.u32 $0xFFFFFFC0, v62  }
0x50: {  	v3 =	vor.u32 v3, v4  }
0x51: {  	v4 =	vperm.xlane v3, v0;
	_ =	sdelay $0x1  }
0x52: {  	v4 =	vadd.s32 v1, v4;
	_ =	sdelay $0x4  }
0x53: {  	[hbm4b:s3+s2] =	stream.indirect_vreg.scatter [tilespmem:s15], [sflag:$0x1], $0x80, v4, vm0, $0xb8;
	[tilespmem:$0x10080] =	vst v63  }
0x54: {  	v3 =	vperm.xlane v3, v2  }
0x55: {  	[hbm4b:s4+s2] =	stream.indirect_vreg.scatter [tilespmem:s16], [sflag:$0x1], $0x80, v4, vm0, $0xb8;
	[tilespmem:$0x10080] =	vst v63  }
0x56: {  	v3 =	vadd.s32 v1, v3  }
0x57: {  	[hbm4b:s5+s2] =	stream.indirect_vreg.scatter [tilespmem:s17], [sflag:$0x1], $0x80, v4, vm0, $0xb8;
	[tilespmem:$0x10080] =	vst v63  }
0x58: {  	_ = 	snop  }
0x59: {  	[hbm4b:s6+s2] =	stream.indirect_vreg.scatter [tilespmem:s18], [sflag:$0x1], $0x80, v4, vm0, $0xb8;
	[tilespmem:$0x10080] =	vst v63  }
0x5a: {  	_ = 	snop  }
0x5b: {  	[hbm4b:s3+s2] =	stream.indirect_vreg.scatter [tilespmem:s19], [sflag:$0x1], $0x80, v3, vm0, $0xb8;
	[tilespmem:$0x10080] =	vst v63  }
0x5c: {  	_ = 	snop  }
0x5d: {  	[hbm4b:s4+s2] =	stream.indirect_vreg.scatter [tilespmem:s20], [sflag:$0x1], $0x80, v3, vm0, $0xb8;
	[tilespmem:$0x10080] =	vst v63  }
0x5e: {  	_ = 	snop  }
0x5f: {  	[hbm4b:s5+s2] =	stream.indirect_vreg.scatter [tilespmem:s21], [sflag:$0x1], $0x80, v3, vm0, $0xb8;
	[tilespmem:$0x10080] =	vst v63  }
0x60: {  	_ = 	snop  }
0x61: {  	[hbm4b:s6+s2] =	stream.indirect_vreg.scatter [tilespmem:s22], [sflag:$0x1], $0x80, v3, vm0, $0xb8;
	[tilespmem:$0x10080] =	vst v63  }
0x62: {  	v3 =	vld [tilespmem:$0x30];
	_ =	sdelay $0x4  }
0x63: {  	v63 =	vshll.u32 v3, $0x3  }
0x64: {  	v3 =	vand.u32 $0x7, v3;
	v4 =	vand.u32 $0xFFFFFFC0, v63  }
0x65: {  	v3 =	vor.u32 v3, v4  }
0x66: {  	v4 =	vperm.xlane v3, v0;
	_ =	sdelay $0x1  }
0x67: {  	v4 =	vadd.s32 v1, v4;
	_ =	sdelay $0x4  }
0x68: {  	[hbm4b:s3+s2] =	stream.indirect_vreg.scatter [tilespmem:s23], [sflag:$0x1], $0x80, v4, vm0, $0xb8;
	[tilespmem:$0x10080] =	vst v63  }
0x69: {  	v3 =	vperm.xlane v3, v2  }
0x6a: {  	[hbm4b:s4+s2] =	stream.indirect_vreg.scatter [tilespmem:s24], [sflag:$0x1], $0x80, v4, vm0, $0xb8;
	[tilespmem:$0x10080] =	vst v63  }
0x6b: {  	v3 =	vadd.s32 v1, v3  }
0x6c: {  	[hbm4b:s5+s2] =	stream.indirect_vreg.scatter [tilespmem:s25], [sflag:$0x1], $0x80, v4, vm0, $0xb8;
	[tilespmem:$0x10080] =	vst v63  }
0x6d: {  	_ = 	snop  }
0x6e: {  	[hbm4b:s6+s2] =	stream.indirect_vreg.scatter [tilespmem:s26], [sflag:$0x1], $0x80, v4, vm0, $0xb8;
	[tilespmem:$0x10080] =	vst v63  }
0x6f: {  	_ = 	snop  }
0x70: {  	[hbm4b:s3+s2] =	stream.indirect_vreg.scatter [tilespmem:s28], [sflag:$0x1], $0x80, v3, vm0, $0xb8;
	[tilespmem:$0x10080] =	vst v63  }
0x71: {  	_ = 	snop  }
0x72: {  	[hbm4b:s4+s2] =	stream.indirect_vreg.scatter [tilespmem:s29], [sflag:$0x1], $0x80, v3, vm0, $0xb8;
	[tilespmem:$0x10080] =	vst v63  }
0x73: {  	p0 =	sne.s32 s7, $0x1  }
0x74: {  	[hbm4b:s5+s2] =	stream.indirect_vreg.scatter [tilespmem:s30], [sflag:$0x1], $0x80, v3, vm0, $0xb8;
	[tilespmem:$0x10080] =	vst v63  }
.Ltmp0:
0x75: {  	_ = 	snop;
	(pc) =	sbr.rel @p0 .LBB2_1-.Ltmp0, $4  }
0x76: {  	[hbm4b:s6+s2] =	stream.indirect_vreg.scatter [tilespmem:s31], [sflag:$0x1], $0x80, v3, vm0, $0xb8;
	[tilespmem:$0x10080] =	vst v63  }
0x77: {  	_ =	swait.ge [sflag:s1], $0x10000  }
0x78: {  	[sflag:s1] =	ssyncset.done $0x0  }
0x79: {  	s7 =	sadd.s32 $0xFFFFFFFF, s7;
	[sflag:s1] =	ssyncadd.s32 $0xFFFF0000  }
0x7a: {  	_ =	sfence.sel $0x180000  }
0x7b: {  	[bflag:$0x0] =	sbarrier.arrive $0xFFFF  }
0x7c: {  	_ =	strace $0x90000047  }
0x7d: {  	s0 =	stileid.u32;
	[bflag:$0x2] =	sbarrier.arrive $0xFFFF  }
0x7e: {  	p0 =	sne.s32 s0, $0x0;
	s0 =	rddreg [dreg:$0x2]  }
0x7f: {  	s0 =	sadd.s32 @!p0 $0x100000, s0  }
0x80: {  	[sflag:s0] =	ssyncadd.tile.s32 @!p0 $0x1;
	_ =	shalt  }
.Lfunc_end2:
_tile_overlayer_lowered:
.L_overlay_start_2:
0x81: {  	(tag) =	ssettag $0x2  }
0x82: {  	s0 =	rddreg [dreg:$0x0];
	s2 =	stileid.u32  }
0x83: {  	s1 =	rddreg [dreg:$0x1];
	p0 =	sne.s32 s2, $0x0  }
0x84: {  	s3 =	rddreg [dreg:$0x2];
	[bflag:$0x3] =	sbarrier.arrive $0xFFFF;
	s2 =	simm.s32 @!p0 $0x1C02  }
0x85: {  	[timem:s3], [sflag:s2] =	dma.local @!p0 [hbm:s0], s1  }
0x86: {  	s0 =	simm.s32 @!p0 $0x2  }
0x87: {  	_ =	swait.ge @!p0 [sflag:s0], s1  }
0x88: {  	s1 =	ssub.s32 @!p0 $0x0, s1;
	[sflag:s0] =	ssyncset.done @!p0 $0x0  }
0x89: {  	[sflag:s0] =	ssyncadd.s32 @!p0 s1  }
0x8a: {  	[bflag:$0x3] =	sbarrier.arrive $0xFFFF  }
0x8b: {  	_ =	shalt  }

</sc_bundles>
